<compile_context>
chip_gen: v7x
topology: tpu7x:2x2x1
jax: 0.10.2.dev20260603
libtpu: 0.0.44.dev20260713+nightly
codegen_flags: <defaults>
</compile_context>

<pallas_src>
import dataclasses
import functools

import jax
import jax.numpy as jnp
from jax import lax
from jax.experimental import pallas as pl
from jax.experimental.pallas import tpu as pltpu
from jax.experimental.pallas import tpu_sc as plsc

N = 10000
E = 320000
D = 128
NC = 2
NS = 16
NW = NC * NS
CHUNK = 80
NCHUNK = 125
EPT = NCHUNK * CHUNK
EP = NW * EPT
GARBAGE = N
NP = 10112
RPT = NP // NS
ZROWS = 40
L = 16

_MESH = plsc.VectorSubcoreMesh(core_axis_name="c", subcore_axis_name="s")

_SC_PARAMS = pltpu.CompilerParams()
if "needs_layout_passes" in pltpu.CompilerParams.__dataclass_fields__:
    _SC_PARAMS = dataclasses.replace(_SC_PARAMS, needs_layout_passes=False)



@functools.partial(
    pl.kernel,
    out_type=jax.ShapeDtypeStruct((NW, NP), jnp.float32),
    mesh=_MESH,
    scratch_types=[
        pltpu.VMEM((EPT,), jnp.int32),
        pltpu.VMEM((NP,), jnp.float32),
    ],
    compiler_params=_SC_PARAMS,
)
def _sc_degree(dst_hbm, out_hbm, dst_v, cnt_v):
    c = lax.axis_index("c")
    s = lax.axis_index("s")
    wid = c * NS + s

    @pl.loop(0, NP, step=L)
    def _(r):
        cnt_v[pl.ds(r, L)] = jnp.zeros((L,), jnp.float32)

    pltpu.sync_copy(dst_hbm.at[wid], dst_v)

    ones = jnp.full((L,), 1.0, jnp.float32)

    @pl.loop(0, EPT, step=L)
    def _(g):
        idx = dst_v[pl.ds(g, L)]
        plsc.addupdate_scatter(cnt_v, [idx], ones)

    pltpu.sync_copy(cnt_v, out_hbm.at[wid])


@functools.partial(
    pl.kernel,
    out_type=jax.ShapeDtypeStruct((NC * NP, D), jnp.float32),
    mesh=_MESH,
    scratch_types=[
        pltpu.VMEM((NCHUNK, 2, CHUNK), jnp.int32),
        pltpu.VMEM((CHUNK, D), jnp.float32),
        pltpu.VMEM((ZROWS, D), jnp.float32),
        pltpu.VMEM_SHARED((NP, D), jnp.float32),
    ],
)
def _sc_aggregate(y_hbm, idx_hbm, out_hbm, idx_v, rows_v, zbuf_v, acc_sh):
    c = lax.axis_index("c")
    s = lax.axis_index("s")
    wid = c * NS + s
    r0 = s * RPT

    @pl.loop(0, ZROWS)
    def _(r):
        @pl.loop(0, D, step=L)
        def _(c0):
            zbuf_v[r, pl.ds(c0, L)] = jnp.zeros((L,), jnp.float32)

    @pl.loop(0, RPT - ZROWS, step=ZROWS)
    def _(i):
        pltpu.sync_copy(zbuf_v, acc_sh.at[pl.ds(r0 + i, ZROWS)])

    pltpu.sync_copy(zbuf_v.at[pl.ds(0, RPT - (RPT // ZROWS) * ZROWS)],
                    acc_sh.at[pl.ds(r0 + (RPT // ZROWS) * ZROWS,
                                    RPT - (RPT // ZROWS) * ZROWS)])
    pltpu.sync_copy(idx_hbm.at[wid], idx_v)
    plsc.subcore_barrier()

    @pl.loop(0, NCHUNK)
    def _(j):
        pltpu.sync_copy(y_hbm.at[idx_v.at[j, 0]], rows_v)
        pltpu.sync_copy(rows_v, acc_sh.at[idx_v.at[j, 1]], add=True)

    plsc.subcore_barrier()
    pltpu.sync_copy(acc_sh.at[pl.ds(r0, RPT)],
                    out_hbm.at[pl.ds(c * NP + r0, RPT)])



BM = 1024

_DOT = dict(precision=lax.Precision.HIGHEST, preferred_element_type=jnp.float32)


def _mm_body(x_ref, w_ref, o_ref):
    o_ref[...] = lax.dot_general(x_ref[...], w_ref[...],
                                 (((1,), (1,)), ((), ())), **_DOT)


def _matmul(x, w):
    return pl.pallas_call(
        _mm_body,
        grid=(NP // BM + 1,),
        in_specs=[pl.BlockSpec((BM, D), lambda i: (i, 0)),
                  pl.BlockSpec((D, D), lambda i: (0, 0))],
        out_specs=pl.BlockSpec((BM, D), lambda i: (i, 0)),
        out_shape=jax.ShapeDtypeStruct((N, D), jnp.float32),
    )(x, w)


def _dis_y_body(degp_ref, t_ref, dis_ref, y_ref):
    deg = jnp.sum(degp_ref[...], axis=0) + 1.0
    dis = lax.rsqrt(deg)[:, None]
    dis_ref[...] = dis
    y_ref[...] = t_ref[...] * dis


def _dis_y(degp, t):
    return pl.pallas_call(
        _dis_y_body,
        grid=(NP // BM + 1,),
        in_specs=[pl.BlockSpec((NW, BM), lambda i: (0, i)),
                  pl.BlockSpec((BM, D), lambda i: (i, 0))],
        out_specs=[pl.BlockSpec((BM, 1), lambda i: (i, 0)),
                   pl.BlockSpec((BM, D), lambda i: (i, 0))],
        out_shape=[jax.ShapeDtypeStruct((NP, 1), jnp.float32),
                   jax.ShapeDtypeStruct((N, D), jnp.float32)],
    )(degp, t)


def _mid_body(sp_ref, y_ref, dis_ref, b_ref, w_ref, o_ref):
    dis = dis_ref[...]
    agg = sp_ref[0] + sp_ref[1] + y_ref[...]
    h = jnp.maximum(agg * dis + b_ref[...][None, :], 0.0)
    t = lax.dot_general(h, w_ref[...], (((1,), (1,)), ((), ())), **_DOT)
    o_ref[...] = t * dis


def _mid_layer(sp, y, dis, b, w):
    return pl.pallas_call(
        _mid_body,
        grid=(NP // BM + 1,),
        in_specs=[pl.BlockSpec((NC, BM, D), lambda i: (0, i, 0)),
                  pl.BlockSpec((BM, D), lambda i: (i, 0)),
                  pl.BlockSpec((BM, 1), lambda i: (i, 0)),
                  pl.BlockSpec((D,), lambda i: (0,)),
                  pl.BlockSpec((D, D), lambda i: (0, 0))],
        out_specs=pl.BlockSpec((BM, D), lambda i: (i, 0)),
        out_shape=jax.ShapeDtypeStruct((N, D), jnp.float32),
    )(sp, y, dis, b, w)


def _final_body(sp_ref, y_ref, dis_ref, b_ref, o_ref):
    agg = sp_ref[0] + sp_ref[1] + y_ref[...]
    o_ref[...] = jnp.maximum(agg * dis_ref[...] + b_ref[...][None, :], 0.0)


def _final_layer(sp, y, dis, b):
    return pl.pallas_call(
        _final_body,
        grid=(NP // BM + 1,),
        in_specs=[pl.BlockSpec((NC, BM, D), lambda i: (0, i, 0)),
                  pl.BlockSpec((BM, D), lambda i: (i, 0)),
                  pl.BlockSpec((BM, 1), lambda i: (i, 0)),
                  pl.BlockSpec((D,), lambda i: (0,))],
        out_specs=pl.BlockSpec((BM, D), lambda i: (i, 0)),
        out_shape=jax.ShapeDtypeStruct((N, D), jnp.float32),
    )(sp, y, dis, b)



@jax.jit
def kernel(x, edge_index, W1, b1, W2, b2):
    ei = edge_index.astype(jnp.int32)
    ppt = EPT - E // NW
    pad_dst = GARBAGE + jnp.arange(NW * ppt, dtype=jnp.int32) % (NP - N)
    src = jnp.concatenate([ei[0].reshape(NW, E // NW),
                           jnp.zeros((NW, ppt), jnp.int32)], axis=1)
    dst = jnp.concatenate([ei[1].reshape(NW, E // NW),
                           pad_dst.reshape(NW, ppt)], axis=1)
    src = src.reshape(NW, NCHUNK, 1, CHUNK)
    dst = dst.reshape(NW, NCHUNK, 1, CHUNK)
    idx = jnp.concatenate([src, dst], axis=2)

    degp = _sc_degree(dst.reshape(NW, EPT))
    t1 = _matmul(x, W1)
    dis, y1 = _dis_y(degp, t1)

    s1 = _sc_aggregate(y1, idx).reshape(NC, NP, D)
    y2 = _mid_layer(s1, y1, dis, b1, W2)

    s2 = _sc_aggregate(y2, idx).reshape(NC, NP, D)
    return _final_layer(s2, y2, dis, b2)

# --- scband reference (transcript-rebuilt; emitter-appended) ---
"""Pipeline reference for scband-encoder-block-72413148610781 (READ-ONLY COPY).

The authoritative reference and input builder live on the scoring server;
editing this copy changes nothing except your own understanding.
"""

import jax, jax.numpy as jnp
import numpy as np

N_NODES = 10000
N_EDGES = 320000
D_IN = 128
D_HID = 128
D_OUT = 128


def gcn_conv(x, edge_index, W, b, num_nodes):
    # PyG GCNConv: x' = D^{-1/2} (A + I) D^{-1/2} X W^T + b
    x = x @ W.T
    src = edge_index[0]
    dst = edge_index[1]
    # add self-loops
    loop = jnp.arange(num_nodes, dtype=src.dtype)
    src = jnp.concatenate([src, loop])
    dst = jnp.concatenate([dst, loop])
    # degree computed on target (col) nodes with unit edge weights
    deg = jnp.zeros((num_nodes,), dtype=x.dtype).at[dst].add(1.0)
    deg_inv_sqrt = jnp.where(deg > 0, jax.lax.rsqrt(jnp.maximum(deg, 1e-12)), 0.0)
    norm = deg_inv_sqrt[src] * deg_inv_sqrt[dst]
    msg = x[src] * norm[:, None]
    out = jnp.zeros_like(x).at[dst].add(msg)
    return out + b


def setup_inputs(seed: int = 0) -> dict:
    key = jax.random.key(seed)
    k_x, k_e, k_w1, k_b1, k_w2, k_b2 = jax.random.split(key, 6)
    x = jax.random.normal(k_x, (N_NODES, D_IN), dtype=jnp.float32)
    edge_index = jax.random.randint(k_e, (2, N_EDGES), 0, N_NODES, dtype=jnp.int64)
    # glorot-style init for GCN linear weights (shape [out, in] to match lin.weight)
    s1 = float(np.sqrt(6.0 / (D_IN + D_HID)))
    W1 = jax.random.uniform(k_w1, (D_HID, D_IN), dtype=jnp.float32, minval=-s1, maxval=s1)
    b1 = jnp.zeros((D_HID,), dtype=jnp.float32)
    s2 = float(np.sqrt(6.0 / (D_HID + D_OUT)))
    W2 = jax.random.uniform(k_w2, (D_OUT, D_HID), dtype=jnp.float32, minval=-s2, maxval=s2)
    b2 = jnp.zeros((D_OUT,), dtype=jnp.float32)
    return {"x": x, "edge_index": edge_index, "W1": W1, "b1": b1, "W2": W2, "b2": b2}


def reference(x, edge_index, W1, b1, W2, b2):
    num_nodes = x.shape[0]
    h = gcn_conv(x, edge_index, W1, b1, num_nodes)
    h = jax.nn.relu(h)
    h = gcn_conv(h, edge_index, W2, b2, num_nodes)
    h = jax.nn.relu(h)
    return h

if __name__ == "__main__":
    import jax
    _d = setup_inputs()
    print(jax.jit(kernel)(*tuple(_d.values())))

</pallas_src>

<mosaic_0001>
#map = affine_map<(d0, d1) -> (0, 0)>
#map1 = affine_map<(d0, d1) -> (0, 0, 0, 0)>
module attributes {stable_mosaic.version = 14 : i64} {
  func.func @_sc_aggregate(%arg0: i32, %arg1: i32, %arg2: memref<10000x128xf32, #tpu.memory_space<hbm>>, %arg3: memref<32x125x2x80xi32, #tpu.memory_space<hbm>>, %arg4: memref<20224x128xf32, #tpu.memory_space<hbm>>, %arg5: memref<125x2x80xi32, #tpu.memory_space<vmem>>, %arg6: memref<80x128xf32, #tpu.memory_space<vmem>>, %arg7: memref<40x128xf32, #tpu.memory_space<vmem>>, %arg8: memref<10112x128xf32, #tpu.memory_space<vmem_shared>>) attributes {dimension_semantics = [#tpu.dimension_semantics<core_parallel>, #tpu.dimension_semantics<subcore_parallel>], iteration_bounds = array<i64: 2, 16>, scalar_prefetch = 0 : i64, scratch_operands = 4 : i64, tpu.core_type = #tpu.core_type<sc_vector_subcore>, window_params = [{transform_indices = #map}, {transform_indices = #map1}, {transform_indices = #map}]} {
    %mul3A = arith.constant 16 : i32
    %mul3A_0 = arith.muli %arg0, %mul3A : i32
    %add3A = arith.addi %mul3A_0, %arg1 : i32
    %mul3A_1 = arith.constant 632 : i32
    %mul3A_2 = arith.muli %arg1, %mul3A_1 : i32
    %scan3A = arith.constant 0 : i32
    %scan3A_3 = arith.constant 40 : i32
    %scan3A_4 = arith.addi %scan3A, %scan3A_3 : i32
    %scan3A_5 = arith.constant 1 : i32
    scf.for %scan3A_23 = %scan3A to %scan3A_4 step %scan3A_5  : i32 {
      %mul3A_24 = arith.constant 1 : i32
      %mul3A_25 = arith.muli %scan3A_23, %mul3A_24 : i32
      %add3A_26 = arith.constant 0 : i32
      %add3A_27 = arith.addi %add3A_26, %mul3A_25 : i32
      %scan3A_28 = arith.constant 0 : i32
      %scan3A_29 = arith.constant 8 : i32
      %scan3A_30 = arith.addi %scan3A_28, %scan3A_29 : i32
      %scan3A_31 = arith.constant 1 : i32
      scf.for %scan3A_33 = %scan3A_28 to %scan3A_30 step %scan3A_31  : i32 {
        %mul3A_34 = arith.constant 16 : i32
        %mul3A_35 = arith.muli %scan3A_33, %mul3A_34 : i32
        %add3A_36 = arith.constant 0 : i32
        %add3A_37 = arith.addi %add3A_36, %mul3A_35 : i32
        %broadcast_in_dim3A = arith.constant 0.000000e+00 : f32
        %broadcast_in_dim3A_38 = vector.broadcast %broadcast_in_dim3A : f32 to vector<16xf32>
        %swap3A = arith.index_cast %add3A_27 : i32 to index
        %swap3A_39 = arith.index_cast %add3A_37 : i32 to index
        %swap3A_40 = tpu.vector_load %arg7[%swap3A, %swap3A_39] {strides = array<i32>} : memref<40x128xf32, #tpu.memory_space<vmem>>, vector<1x16xf32>,
        %swap3A_41 = vector.shape_cast %swap3A_40 : vector<1x16xf32> to vector<16xf32>
        %swap3A_42 = vector.shape_cast %broadcast_in_dim3A_38 : vector<16xf32> to vector<1x16xf32>
        tpu.vector_store %arg7[%swap3A, %swap3A_39], %swap3A_42 {strides = array<i32>} : memref<40x128xf32, #tpu.memory_space<vmem>>, vector<1x16xf32>,
      }
      %scan3A_32 = arith.constant 8 : i32
    }
    %scan3A_6 = arith.constant 40 : i32
    %scan3A_7 = arith.constant 0 : i32
    %scan3A_8 = arith.constant 15 : i32
    %scan3A_9 = arith.addi %scan3A_7, %scan3A_8 : i32
    %scan3A_10 = arith.constant 1 : i32
    scf.for %scan3A_23 = %scan3A_7 to %scan3A_9 step %scan3A_10  : i32 {
      %mul3A_24 = arith.constant 40 : i32
      %mul3A_25 = arith.muli %scan3A_23, %mul3A_24 : i32
      %add3A_26 = arith.constant 0 : i32
      %add3A_27 = arith.addi %add3A_26, %mul3A_25 : i32
      %add3A_28 = arith.addi %mul3A_2, %add3A_27 : i32
      "tpu.region"() ({
        %run_scoped3A = tpu.sem_alloc : memref<!tpu.dma_semaphore, #tpu.memory_space<semaphore_mem>>
        %dma_start3A = arith.constant 0 : i32
        %dma_start3A_29 = tpu.memref_slice %arg8[%add3A_28, %dma_start3A] : memref<10112x128xf32, #tpu.memory_space<vmem_shared>> -> memref<40x128xf32, #tpu.memory_space<vmem_shared>>
        %dma_start3A_30 = arith.constant 0 : i32
        %dma_start3A_31 = tpu.memref_slice %arg8[%add3A_28, %dma_start3A_30] : memref<10112x128xf32, #tpu.memory_space<vmem_shared>> -> memref<40x128xf32, #tpu.memory_space<vmem_shared>>
        tpu.enqueue_dma source(%arg7 : memref<40x128xf32, #tpu.memory_space<vmem>>) target(%dma_start3A_31 : memref<40x128xf32, #tpu.memory_space<vmem_shared>>) target_semaphore(%run_scoped3A : memref<!tpu.dma_semaphore, #tpu.memory_space<semaphore_mem>>)
        %dma_wait3A = arith.constant 0 : i32
        %dma_wait3A_32 = tpu.memref_slice %arg8[%add3A_28, %dma_wait3A] : memref<10112x128xf32, #tpu.memory_space<vmem_shared>> -> memref<40x128xf32, #tpu.memory_space<vmem_shared>>
        %dma_wait3A_33 = arith.constant 0 : i32
        %dma_wait3A_34 = tpu.memref_slice %arg8[%add3A_28, %dma_wait3A_33] : memref<10112x128xf32, #tpu.memory_space<vmem_shared>> -> memref<40x128xf32, #tpu.memory_space<vmem_shared>>
        tpu.wait_dma2 semaphore(%run_scoped3A : memref<!tpu.dma_semaphore, #tpu.memory_space<semaphore_mem>>) src(%arg7 : memref<40x128xf32, #tpu.memory_space<vmem>>) dst(%dma_wait3A_34 : memref<40x128xf32, #tpu.memory_space<vmem_shared>>)
        tpu.yield
      }) : () -> ()
    }
    %scan3A_11 = arith.constant 15 : i32
    %add3A_12 = arith.constant 600 : i32
    %add3A_13 = arith.addi %mul3A_2, %add3A_12 : i32
    "tpu.region"() ({
      %run_scoped3A = tpu.sem_alloc : memref<!tpu.dma_semaphore, #tpu.memory_space<semaphore_mem>>
      %dma_start3A = arith.constant 0 : i32
      %dma_start3A_23 = arith.constant 0 : i32
      %dma_start3A_24 = tpu.memref_slice %arg7[%dma_start3A, %dma_start3A_23] : memref<40x128xf32, #tpu.memory_space<vmem>> -> memref<32x128xf32, #tpu.memory_space<vmem>>
      %dma_start3A_25 = arith.constant 0 : i32
      %dma_start3A_26 = tpu.memref_slice %arg8[%add3A_13, %dma_start3A_25] : memref<10112x128xf32, #tpu.memory_space<vmem_shared>> -> memref<32x128xf32, #tpu.memory_space<vmem_shared>>
      %dma_start3A_27 = arith.constant 0 : i32
      %dma_start3A_28 = tpu.memref_slice %arg8[%add3A_13, %dma_start3A_27] : memref<10112x128xf32, #tpu.memory_space<vmem_shared>> -> memref<32x128xf32, #tpu.memory_space<vmem_shared>>
      %dma_start3A_29 = arith.constant 0 : i32
      %dma_start3A_30 = arith.constant 0 : i32
      %dma_start3A_31 = tpu.memref_slice %arg7[%dma_start3A_29, %dma_start3A_30] : memref<40x128xf32, #tpu.memory_space<vmem>> -> memref<32x128xf32, #tpu.memory_space<vmem>>
      tpu.enqueue_dma source(%dma_start3A_31 : memref<32x128xf32, #tpu.memory_space<vmem>>) target(%dma_start3A_28 : memref<32x128xf32, #tpu.memory_space<vmem_shared>>) target_semaphore(%run_scoped3A : memref<!tpu.dma_semaphore, #tpu.memory_space<semaphore_mem>>)
      %dma_wait3A = arith.constant 0 : i32
      %dma_wait3A_32 = arith.constant 0 : i32
      %dma_wait3A_33 = tpu.memref_slice %arg7[%dma_wait3A, %dma_wait3A_32] : memref<40x128xf32, #tpu.memory_space<vmem>> -> memref<32x128xf32, #tpu.memory_space<vmem>>
      %dma_wait3A_34 = arith.constant 0 : i32
      %dma_wait3A_35 = tpu.memref_slice %arg8[%add3A_13, %dma_wait3A_34] : memref<10112x128xf32, #tpu.memory_space<vmem_shared>> -> memref<32x128xf32, #tpu.memory_space<vmem_shared>>
      %dma_wait3A_36 = arith.constant 0 : i32
      %dma_wait3A_37 = tpu.memref_slice %arg8[%add3A_13, %dma_wait3A_36] : memref<10112x128xf32, #tpu.memory_space<vmem_shared>> -> memref<32x128xf32, #tpu.memory_space<vmem_shared>>
      %dma_wait3A_38 = arith.constant 0 : i32
      %dma_wait3A_39 = arith.constant 0 : i32
      %dma_wait3A_40 = tpu.memref_slice %arg7[%dma_wait3A_38, %dma_wait3A_39] : memref<40x128xf32, #tpu.memory_space<vmem>> -> memref<32x128xf32, #tpu.memory_space<vmem>>
      tpu.wait_dma2 semaphore(%run_scoped3A : memref<!tpu.dma_semaphore, #tpu.memory_space<semaphore_mem>>) src(%dma_wait3A_40 : memref<32x128xf32, #tpu.memory_space<vmem>>) dst(%dma_wait3A_37 : memref<32x128xf32, #tpu.memory_space<vmem_shared>>)
      tpu.yield
    }) : () -> ()
    "tpu.region"() ({
      %run_scoped3A = tpu.sem_alloc : memref<!tpu.dma_semaphore, #tpu.memory_space<semaphore_mem>>
      %dma_start3A = arith.constant 0 : i32
      %dma_start3A_23 = arith.constant 0 : i32
      %dma_start3A_24 = arith.constant 0 : i32
      %dma_start3A_25 = tpu.memref_slice %arg3[%add3A, %dma_start3A, %dma_start3A_23, %dma_start3A_24] : memref<32x125x2x80xi32, #tpu.memory_space<hbm>> -> memref<1x125x2x80xi32, #tpu.memory_space<hbm>>
      %dma_start3A_26 = tpu.memref_squeeze %dma_start3A_25 : memref<1x125x2x80xi32, #tpu.memory_space<hbm>> -> memref<125x2x80xi32, #tpu.memory_space<hbm>>
      %dma_start3A_27 = arith.constant 0 : i32
      %dma_start3A_28 = arith.constant 0 : i32
      %dma_start3A_29 = arith.constant 0 : i32
      %dma_start3A_30 = tpu.memref_slice %arg3[%add3A, %dma_start3A_27, %dma_start3A_28, %dma_start3A_29] : memref<32x125x2x80xi32, #tpu.memory_space<hbm>> -> memref<1x125x2x80xi32, #tpu.memory_space<hbm>>
      %dma_start3A_31 = tpu.memref_squeeze %dma_start3A_30 : memref<1x125x2x80xi32, #tpu.memory_space<hbm>> -> memref<125x2x80xi32, #tpu.memory_space<hbm>>
      tpu.enqueue_dma source(%dma_start3A_31 : memref<125x2x80xi32, #tpu.memory_space<hbm>>) target(%arg5 : memref<125x2x80xi32, #tpu.memory_space<vmem>>) target_semaphore(%run_scoped3A : memref<!tpu.dma_semaphore, #tpu.memory_space<semaphore_mem>>)
      %dma_wait3A = arith.constant 0 : i32
      %dma_wait3A_32 = arith.constant 0 : i32
      %dma_wait3A_33 = arith.constant 0 : i32
      %dma_wait3A_34 = tpu.memref_slice %arg3[%add3A, %dma_wait3A, %dma_wait3A_32, %dma_wait3A_33] : memref<32x125x2x80xi32, #tpu.memory_space<hbm>> -> memref<1x125x2x80xi32, #tpu.memory_space<hbm>>
      %dma_wait3A_35 = tpu.memref_squeeze %dma_wait3A_34 : memref<1x125x2x80xi32, #tpu.memory_space<hbm>> -> memref<125x2x80xi32, #tpu.memory_space<hbm>>
      %dma_wait3A_36 = arith.constant 0 : i32
      %dma_wait3A_37 = arith.constant 0 : i32
      %dma_wait3A_38 = arith.constant 0 : i32
      %dma_wait3A_39 = tpu.memref_slice %arg3[%add3A, %dma_wait3A_36, %dma_wait3A_37, %dma_wait3A_38] : memref<32x125x2x80xi32, #tpu.memory_space<hbm>> -> memref<1x125x2x80xi32, #tpu.memory_space<hbm>>
      %dma_wait3A_40 = tpu.memref_squeeze %dma_wait3A_39 : memref<1x125x2x80xi32, #tpu.memory_space<hbm>> -> memref<125x2x80xi32, #tpu.memory_space<hbm>>
      tpu.wait_dma2 semaphore(%run_scoped3A : memref<!tpu.dma_semaphore, #tpu.memory_space<semaphore_mem>>) src(%dma_wait3A_40 : memref<125x2x80xi32, #tpu.memory_space<hbm>>) dst(%arg5 : memref<125x2x80xi32, #tpu.memory_space<vmem>>)
      tpu.yield
    }) : () -> ()
    %barrier3A = arith.constant 0 : index
    tpu.barrier barrier_id(%barrier3A)
    %scan3A_14 = arith.constant 0 : i32
    %scan3A_15 = arith.constant 125 : i32
    %scan3A_16 = arith.addi %scan3A_14, %scan3A_15 : i32
    %scan3A_17 = arith.constant 1 : i32
    scf.for %scan3A_23 = %scan3A_14 to %scan3A_16 step %scan3A_17  : i32 {
      %mul3A_24 = arith.constant 1 : i32
      %mul3A_25 = arith.muli %scan3A_23, %mul3A_24 : i32
      %add3A_26 = arith.constant 0 : i32
      %add3A_27 = arith.addi %add3A_26, %mul3A_25 : i32
      %run_scoped3A = arith.constant 0 : i32
      "tpu.region"() ({
        %run_scoped3A_29 = tpu.sem_alloc : memref<!tpu.dma_semaphore, #tpu.memory_space<semaphore_mem>>
        %dma_start3A = arith.constant 0 : i32
        %dma_start3A_30 = tpu.memref_slice %arg5[%add3A_27, %run_scoped3A, %dma_start3A] : memref<125x2x80xi32, #tpu.memory_space<vmem>> -> memref<1x1x80xi32, #tpu.memory_space<vmem>>
        %dma_start3A_31 = tpu.memref_squeeze %dma_start3A_30 : memref<1x1x80xi32, #tpu.memory_space<vmem>> -> memref<80xi32, #tpu.memory_space<vmem>>
        %dma_start3A_32 = arith.constant 0 : i32
        %dma_start3A_33 = arith.constant 0 : i32
        %dma_start3A_34 = tpu.memref_slice %arg2[%dma_start3A_32, %dma_start3A_33] : memref<10000x128xf32, #tpu.memory_space<hbm>> -> memref<10000x128xf32, #tpu.memory_space<hbm>>
        tpu.enqueue_indirect_dma source(%dma_start3A_34 : memref<10000x128xf32, #tpu.memory_space<hbm>>) target(%arg6 : memref<80x128xf32, #tpu.memory_space<vmem>>) offsets(%dma_start3A_31 : memref<80xi32, #tpu.memory_space<vmem>>) semaphore(%run_scoped3A_29 : memref<!tpu.dma_semaphore, #tpu.memory_space<semaphore_mem>>)
        %dma_wait3A = arith.constant 0 : i32
        %dma_wait3A_35 = tpu.memref_slice %arg5[%add3A_27, %run_scoped3A, %dma_wait3A] : memref<125x2x80xi32, #tpu.memory_space<vmem>> -> memref<1x1x80xi32, #tpu.memory_space<vmem>>
        %dma_wait3A_36 = tpu.memref_squeeze %dma_wait3A_35 : memref<1x1x80xi32, #tpu.memory_space<vmem>> -> memref<80xi32, #tpu.memory_space<vmem>>
        %dma_wait3A_37 = arith.constant 0 : i32
        %dma_wait3A_38 = arith.constant 0 : i32
        %dma_wait3A_39 = tpu.memref_slice %arg2[%dma_wait3A_37, %dma_wait3A_38] : memref<10000x128xf32, #tpu.memory_space<hbm>> -> memref<10000x128xf32, #tpu.memory_space<hbm>>
        tpu.wait_indirect_dma semaphore(%run_scoped3A_29 : memref<!tpu.dma_semaphore, #tpu.memory_space<semaphore_mem>>) src(%dma_wait3A_39 : memref<10000x128xf32, #tpu.memory_space<hbm>>) dst(%arg6 : memref<80x128xf32, #tpu.memory_space<vmem>>)
        tpu.yield
      }) : () -> ()
      %run_scoped3A_28 = arith.constant 1 : i32
      "tpu.region"() ({
        %run_scoped3A_29 = tpu.sem_alloc : memref<!tpu.dma_semaphore, #tpu.memory_space<semaphore_mem>>
        %dma_start3A = arith.constant 0 : i32
        %dma_start3A_30 = tpu.memref_slice %arg5[%add3A_27, %run_scoped3A_28, %dma_start3A] : memref<125x2x80xi32, #tpu.memory_space<vmem>> -> memref<1x1x80xi32, #tpu.memory_space<vmem>>
        %dma_start3A_31 = tpu.memref_squeeze %dma_start3A_30 : memref<1x1x80xi32, #tpu.memory_space<vmem>> -> memref<80xi32, #tpu.memory_space<vmem>>
        %dma_start3A_32 = arith.constant 0 : i32
        %dma_start3A_33 = arith.constant 0 : i32
        %dma_start3A_34 = tpu.memref_slice %arg8[%dma_start3A_32, %dma_start3A_33] : memref<10112x128xf32, #tpu.memory_space<vmem_shared>> -> memref<10112x128xf32, #tpu.memory_space<vmem_shared>>
        tpu.enqueue_indirect_dma source(%arg6 : memref<80x128xf32, #tpu.memory_space<vmem>>) target(%dma_start3A_34 : memref<10112x128xf32, #tpu.memory_space<vmem_shared>>) offsets(%dma_start3A_31 : memref<80xi32, #tpu.memory_space<vmem>>) semaphore(%run_scoped3A_29 : memref<!tpu.dma_semaphore, #tpu.memory_space<semaphore_mem>>) {add = true}
        %dma_wait3A = arith.constant 0 : i32
        %dma_wait3A_35 = tpu.memref_slice %arg5[%add3A_27, %run_scoped3A_28, %dma_wait3A] : memref<125x2x80xi32, #tpu.memory_space<vmem>> -> memref<1x1x80xi32, #tpu.memory_space<vmem>>
        %dma_wait3A_36 = tpu.memref_squeeze %dma_wait3A_35 : memref<1x1x80xi32, #tpu.memory_space<vmem>> -> memref<80xi32, #tpu.memory_space<vmem>>
        %dma_wait3A_37 = arith.constant 0 : i32
        %dma_wait3A_38 = arith.constant 0 : i32
        %dma_wait3A_39 = tpu.memref_slice %arg8[%dma_wait3A_37, %dma_wait3A_38] : memref<10112x128xf32, #tpu.memory_space<vmem_shared>> -> memref<10112x128xf32, #tpu.memory_space<vmem_shared>>
        tpu.wait_indirect_dma semaphore(%run_scoped3A_29 : memref<!tpu.dma_semaphore, #tpu.memory_space<semaphore_mem>>) src(%arg6 : memref<80x128xf32, #tpu.memory_space<vmem>>) dst(%dma_wait3A_39 : memref<10112x128xf32, #tpu.memory_space<vmem_shared>>)
        tpu.yield
      }) : () -> ()
    }
    %scan3A_18 = arith.constant 125 : i32
    %barrier3A_19 = arith.constant 0 : index
    tpu.barrier barrier_id(%barrier3A_19)
    %mul3A_20 = arith.constant 10112 : i32
    %mul3A_21 = arith.muli %arg0, %mul3A_20 : i32
    %add3A_22 = arith.addi %mul3A_21, %mul3A_2 : i32
    "tpu.region"() ({
      %run_scoped3A = tpu.sem_alloc : memref<!tpu.dma_semaphore, #tpu.memory_space<semaphore_mem>>
      %dma_start3A = arith.constant 0 : i32
      %dma_start3A_23 = tpu.memref_slice %arg4[%add3A_22, %dma_start3A] : memref<20224x128xf32, #tpu.memory_space<hbm>> -> memref<632x128xf32, #tpu.memory_space<hbm>>
      %dma_start3A_24 = arith.constant 0 : i32
      %dma_start3A_25 = tpu.memref_slice %arg8[%mul3A_2, %dma_start3A_24] : memref<10112x128xf32, #tpu.memory_space<vmem_shared>> -> memref<632x128xf32, #tpu.memory_space<vmem_shared>>
      tpu.enqueue_dma source(%dma_start3A_25 : memref<632x128xf32, #tpu.memory_space<vmem_shared>>) target(%dma_start3A_23 : memref<632x128xf32, #tpu.memory_space<hbm>>) target_semaphore(%run_scoped3A : memref<!tpu.dma_semaphore, #tpu.memory_space<semaphore_mem>>)
      %dma_wait3A = arith.constant 0 : i32
      %dma_wait3A_26 = tpu.memref_slice %arg4[%add3A_22, %dma_wait3A] : memref<20224x128xf32, #tpu.memory_space<hbm>> -> memref<632x128xf32, #tpu.memory_space<hbm>>
      %dma_wait3A_27 = arith.constant 0 : i32
      %dma_wait3A_28 = tpu.memref_slice %arg8[%mul3A_2, %dma_wait3A_27] : memref<10112x128xf32, #tpu.memory_space<vmem_shared>> -> memref<632x128xf32, #tpu.memory_space<vmem_shared>>
      tpu.wait_dma2 semaphore(%run_scoped3A : memref<!tpu.dma_semaphore, #tpu.memory_space<semaphore_mem>>) src(%dma_wait3A_28 : memref<632x128xf32, #tpu.memory_space<vmem_shared>>) dst(%dma_wait3A_26 : memref<632x128xf32, #tpu.memory_space<hbm>>)
      tpu.yield
    }) : () -> ()
    return
  }
}

#map = affine_map<(d0, d1) -> (0, 0)>
module attributes {stable_mosaic.version = 14 : i64} {
  func.func @_sc_degree(%arg0: i32, %arg1: i32, %arg2: memref<32x10000xi32, #tpu.memory_space<hbm>>, %arg3: memref<32x10112xf32, #tpu.memory_space<hbm>>, %arg4: memref<10000xi32, #tpu.memory_space<vmem>>, %arg5: memref<10112xf32, #tpu.memory_space<vmem>>) attributes {dimension_semantics = [#tpu.dimension_semantics<core_parallel>, #tpu.dimension_semantics<subcore_parallel>], iteration_bounds = array<i64: 2, 16>, scalar_prefetch = 0 : i64, scratch_operands = 2 : i64, tpu.core_type = #tpu.core_type<sc_vector_subcore>, window_params = [{transform_indices = #map}, {transform_indices = #map}]} {
    %mul3A = arith.constant 16 : i32
    %mul3A_0 = arith.muli %arg0, %mul3A : i32
    %add3A = arith.addi %mul3A_0, %arg1 : i32
    %scan3A = arith.constant 0 : i32
    %scan3A_1 = arith.constant 632 : i32
    %scan3A_2 = arith.addi %scan3A, %scan3A_1 : i32
    %scan3A_3 = arith.constant 1 : i32
    scf.for %scan3A_11 = %scan3A to %scan3A_2 step %scan3A_3  : i32 {
      %mul3A_12 = arith.constant 16 : i32
      %mul3A_13 = arith.muli %scan3A_11, %mul3A_12 : i32
      %add3A_14 = arith.constant 0 : i32
      %add3A_15 = arith.addi %add3A_14, %mul3A_13 : i32
      %broadcast_in_dim3A_16 = arith.constant 0.000000e+00 : f32
      %broadcast_in_dim3A_17 = vector.broadcast %broadcast_in_dim3A_16 : f32 to vector<16xf32>
      %swap3A = arith.index_cast %add3A_15 : i32 to index
      %swap3A_18 = tpu.vector_load %arg5[%swap3A] {strides = array<i32>} : memref<10112xf32, #tpu.memory_space<vmem>>, vector<16xf32>,
      tpu.vector_store %arg5[%swap3A], %broadcast_in_dim3A_17 {strides = array<i32>} : memref<10112xf32, #tpu.memory_space<vmem>>, vector<16xf32>,
    }
    %scan3A_4 = arith.constant 632 : i32
    "tpu.region"() ({
      %run_scoped3A = tpu.sem_alloc : memref<!tpu.dma_semaphore, #tpu.memory_space<semaphore_mem>>
      %dma_start3A = arith.constant 0 : i32
      %dma_start3A_11 = tpu.memref_slice %arg2[%add3A, %dma_start3A] : memref<32x10000xi32, #tpu.memory_space<hbm>> -> memref<1x10000xi32, #tpu.memory_space<hbm>>
      %dma_start3A_12 = tpu.memref_squeeze %dma_start3A_11 : memref<1x10000xi32, #tpu.memory_space<hbm>> -> memref<10000xi32, #tpu.memory_space<hbm>>
      %dma_start3A_13 = arith.constant 0 : i32
      %dma_start3A_14 = tpu.memref_slice %arg2[%add3A, %dma_start3A_13] : memref<32x10000xi32, #tpu.memory_space<hbm>> -> memref<1x10000xi32, #tpu.memory_space<hbm>>
      %dma_start3A_15 = tpu.memref_squeeze %dma_start3A_14 : memref<1x10000xi32, #tpu.memory_space<hbm>> -> memref<10000xi32, #tpu.memory_space<hbm>>
      tpu.enqueue_dma source(%dma_start3A_15 : memref<10000xi32, #tpu.memory_space<hbm>>) target(%arg4 : memref<10000xi32, #tpu.memory_space<vmem>>) target_semaphore(%run_scoped3A : memref<!tpu.dma_semaphore, #tpu.memory_space<semaphore_mem>>)
      %dma_wait3A = arith.constant 0 : i32
      %dma_wait3A_16 = tpu.memref_slice %arg2[%add3A, %dma_wait3A] : memref<32x10000xi32, #tpu.memory_space<hbm>> -> memref<1x10000xi32, #tpu.memory_space<hbm>>
      %dma_wait3A_17 = tpu.memref_squeeze %dma_wait3A_16 : memref<1x10000xi32, #tpu.memory_space<hbm>> -> memref<10000xi32, #tpu.memory_space<hbm>>
      %dma_wait3A_18 = arith.constant 0 : i32
      %dma_wait3A_19 = tpu.memref_slice %arg2[%add3A, %dma_wait3A_18] : memref<32x10000xi32, #tpu.memory_space<hbm>> -> memref<1x10000xi32, #tpu.memory_space<hbm>>
      %dma_wait3A_20 = tpu.memref_squeeze %dma_wait3A_19 : memref<1x10000xi32, #tpu.memory_space<hbm>> -> memref<10000xi32, #tpu.memory_space<hbm>>
      tpu.wait_dma2 semaphore(%run_scoped3A : memref<!tpu.dma_semaphore, #tpu.memory_space<semaphore_mem>>) src(%dma_wait3A_20 : memref<10000xi32, #tpu.memory_space<hbm>>) dst(%arg4 : memref<10000xi32, #tpu.memory_space<vmem>>)
      tpu.yield
    }) : () -> ()
    %broadcast_in_dim3A = arith.constant 1.000000e+00 : f32
    %broadcast_in_dim3A_5 = vector.broadcast %broadcast_in_dim3A : f32 to vector<16xf32>
    %scan3A_6 = arith.constant 0 : i32
    %scan3A_7 = arith.constant 625 : i32
    %scan3A_8 = arith.addi %scan3A_6, %scan3A_7 : i32
    %scan3A_9 = arith.constant 1 : i32
    scf.for %scan3A_11 = %scan3A_6 to %scan3A_8 step %scan3A_9  : i32 {
      %mul3A_12 = arith.constant 16 : i32
      %mul3A_13 = arith.muli %scan3A_11, %mul3A_12 : i32
      %add3A_14 = arith.constant 0 : i32
      %add3A_15 = arith.addi %add3A_14, %mul3A_13 : i32
      %get3A = arith.index_cast %add3A_15 : i32 to index
      %get3A_16 = tpu.vector_load %arg4[%get3A] {strides = array<i32>} : memref<10000xi32, #tpu.memory_space<vmem>>, vector<16xi32>,
      tpu.vector_store_idx %arg5[%get3A_16], %broadcast_in_dim3A_5 {add = true} : memref<10112xf32, #tpu.memory_space<vmem>>[vector<16xi32>], vector<16xf32>,
    }
    %scan3A_10 = arith.constant 625 : i32
    "tpu.region"() ({
      %run_scoped3A = tpu.sem_alloc : memref<!tpu.dma_semaphore, #tpu.memory_space<semaphore_mem>>
      %dma_start3A = arith.constant 0 : i32
      %dma_start3A_11 = tpu.memref_slice %arg3[%add3A, %dma_start3A] : memref<32x10112xf32, #tpu.memory_space<hbm>> -> memref<1x10112xf32, #tpu.memory_space<hbm>>
      %dma_start3A_12 = tpu.memref_squeeze %dma_start3A_11 : memref<1x10112xf32, #tpu.memory_space<hbm>> -> memref<10112xf32, #tpu.memory_space<hbm>>
      %dma_start3A_13 = arith.constant 0 : i32
      %dma_start3A_14 = tpu.memref_slice %arg3[%add3A, %dma_start3A_13] : memref<32x10112xf32, #tpu.memory_space<hbm>> -> memref<1x10112xf32, #tpu.memory_space<hbm>>
      %dma_start3A_15 = tpu.memref_squeeze %dma_start3A_14 : memref<1x10112xf32, #tpu.memory_space<hbm>> -> memref<10112xf32, #tpu.memory_space<hbm>>
      tpu.enqueue_dma source(%arg5 : memref<10112xf32, #tpu.memory_space<vmem>>) target(%dma_start3A_15 : memref<10112xf32, #tpu.memory_space<hbm>>) target_semaphore(%run_scoped3A : memref<!tpu.dma_semaphore, #tpu.memory_space<semaphore_mem>>)
      %dma_wait3A = arith.constant 0 : i32
      %dma_wait3A_16 = tpu.memref_slice %arg3[%add3A, %dma_wait3A] : memref<32x10112xf32, #tpu.memory_space<hbm>> -> memref<1x10112xf32, #tpu.memory_space<hbm>>
      %dma_wait3A_17 = tpu.memref_squeeze %dma_wait3A_16 : memref<1x10112xf32, #tpu.memory_space<hbm>> -> memref<10112xf32, #tpu.memory_space<hbm>>
      %dma_wait3A_18 = arith.constant 0 : i32
      %dma_wait3A_19 = tpu.memref_slice %arg3[%add3A, %dma_wait3A_18] : memref<32x10112xf32, #tpu.memory_space<hbm>> -> memref<1x10112xf32, #tpu.memory_space<hbm>>
      %dma_wait3A_20 = tpu.memref_squeeze %dma_wait3A_19 : memref<1x10112xf32, #tpu.memory_space<hbm>> -> memref<10112xf32, #tpu.memory_space<hbm>>
      tpu.wait_dma2 semaphore(%run_scoped3A : memref<!tpu.dma_semaphore, #tpu.memory_space<semaphore_mem>>) src(%arg5 : memref<10112xf32, #tpu.memory_space<vmem>>) dst(%dma_wait3A_20 : memref<10112xf32, #tpu.memory_space<hbm>>)
      tpu.yield
    }) : () -> ()
    return
  }
}

#map = affine_map<(d0, d1) -> (0, 0)>
#map1 = affine_map<(d0, d1) -> (0, 0, 0, 0)>
module attributes {stable_mosaic.version = 14 : i64} {
  func.func @_sc_aggregate(%arg0: i32, %arg1: i32, %arg2: memref<10000x128xf32, #tpu.memory_space<hbm>>, %arg3: memref<32x125x2x80xi32, #tpu.memory_space<hbm>>, %arg4: memref<20224x128xf32, #tpu.memory_space<hbm>>, %arg5: memref<125x2x80xi32, #tpu.memory_space<vmem>>, %arg6: memref<80x128xf32, #tpu.memory_space<vmem>>, %arg7: memref<40x128xf32, #tpu.memory_space<vmem>>, %arg8: memref<10112x128xf32, #tpu.memory_space<vmem_shared>>) attributes {dimension_semantics = [#tpu.dimension_semantics<core_parallel>, #tpu.dimension_semantics<subcore_parallel>], iteration_bounds = array<i64: 2, 16>, scalar_prefetch = 0 : i64, scratch_operands = 4 : i64, tpu.core_type = #tpu.core_type<sc_vector_subcore>, window_params = [{transform_indices = #map}, {transform_indices = #map1}, {transform_indices = #map}]} {
    %mul3A = arith.constant 16 : i32
    %mul3A_0 = arith.muli %arg0, %mul3A : i32
    %add3A = arith.addi %mul3A_0, %arg1 : i32
    %mul3A_1 = arith.constant 632 : i32
    %mul3A_2 = arith.muli %arg1, %mul3A_1 : i32
    %scan3A = arith.constant 0 : i32
    %scan3A_3 = arith.constant 40 : i32
    %scan3A_4 = arith.addi %scan3A, %scan3A_3 : i32
    %scan3A_5 = arith.constant 1 : i32
    scf.for %scan3A_23 = %scan3A to %scan3A_4 step %scan3A_5  : i32 {
      %mul3A_24 = arith.constant 1 : i32
      %mul3A_25 = arith.muli %scan3A_23, %mul3A_24 : i32
      %add3A_26 = arith.constant 0 : i32
      %add3A_27 = arith.addi %add3A_26, %mul3A_25 : i32
      %scan3A_28 = arith.constant 0 : i32
      %scan3A_29 = arith.constant 8 : i32
      %scan3A_30 = arith.addi %scan3A_28, %scan3A_29 : i32
      %scan3A_31 = arith.constant 1 : i32
      scf.for %scan3A_33 = %scan3A_28 to %scan3A_30 step %scan3A_31  : i32 {
        %mul3A_34 = arith.constant 16 : i32
        %mul3A_35 = arith.muli %scan3A_33, %mul3A_34 : i32
        %add3A_36 = arith.constant 0 : i32
        %add3A_37 = arith.addi %add3A_36, %mul3A_35 : i32
        %broadcast_in_dim3A = arith.constant 0.000000e+00 : f32
        %broadcast_in_dim3A_38 = vector.broadcast %broadcast_in_dim3A : f32 to vector<16xf32>
        %swap3A = arith.index_cast %add3A_27 : i32 to index
        %swap3A_39 = arith.index_cast %add3A_37 : i32 to index
        %swap3A_40 = tpu.vector_load %arg7[%swap3A, %swap3A_39] {strides = array<i32>} : memref<40x128xf32, #tpu.memory_space<vmem>>, vector<1x16xf32>,
        %swap3A_41 = vector.shape_cast %swap3A_40 : vector<1x16xf32> to vector<16xf32>
        %swap3A_42 = vector.shape_cast %broadcast_in_dim3A_38 : vector<16xf32> to vector<1x16xf32>
        tpu.vector_store %arg7[%swap3A, %swap3A_39], %swap3A_42 {strides = array<i32>} : memref<40x128xf32, #tpu.memory_space<vmem>>, vector<1x16xf32>,
      }
      %scan3A_32 = arith.constant 8 : i32
    }
    %scan3A_6 = arith.constant 40 : i32
    %scan3A_7 = arith.constant 0 : i32
    %scan3A_8 = arith.constant 15 : i32
    %scan3A_9 = arith.addi %scan3A_7, %scan3A_8 : i32
    %scan3A_10 = arith.constant 1 : i32
    scf.for %scan3A_23 = %scan3A_7 to %scan3A_9 step %scan3A_10  : i32 {
      %mul3A_24 = arith.constant 40 : i32
      %mul3A_25 = arith.muli %scan3A_23, %mul3A_24 : i32
      %add3A_26 = arith.constant 0 : i32
      %add3A_27 = arith.addi %add3A_26, %mul3A_25 : i32
      %add3A_28 = arith.addi %mul3A_2, %add3A_27 : i32
      "tpu.region"() ({
        %run_scoped3A = tpu.sem_alloc : memref<!tpu.dma_semaphore, #tpu.memory_space<semaphore_mem>>
        %dma_start3A = arith.constant 0 : i32
        %dma_start3A_29 = tpu.memref_slice %arg8[%add3A_28, %dma_start3A] : memref<10112x128xf32, #tpu.memory_space<vmem_shared>> -> memref<40x128xf32, #tpu.memory_space<vmem_shared>>
        %dma_start3A_30 = arith.constant 0 : i32
        %dma_start3A_31 = tpu.memref_slice %arg8[%add3A_28, %dma_start3A_30] : memref<10112x128xf32, #tpu.memory_space<vmem_shared>> -> memref<40x128xf32, #tpu.memory_space<vmem_shared>>
        tpu.enqueue_dma source(%arg7 : memref<40x128xf32, #tpu.memory_space<vmem>>) target(%dma_start3A_31 : memref<40x128xf32, #tpu.memory_space<vmem_shared>>) target_semaphore(%run_scoped3A : memref<!tpu.dma_semaphore, #tpu.memory_space<semaphore_mem>>)
        %dma_wait3A = arith.constant 0 : i32
        %dma_wait3A_32 = tpu.memref_slice %arg8[%add3A_28, %dma_wait3A] : memref<10112x128xf32, #tpu.memory_space<vmem_shared>> -> memref<40x128xf32, #tpu.memory_space<vmem_shared>>
        %dma_wait3A_33 = arith.constant 0 : i32
        %dma_wait3A_34 = tpu.memref_slice %arg8[%add3A_28, %dma_wait3A_33] : memref<10112x128xf32, #tpu.memory_space<vmem_shared>> -> memref<40x128xf32, #tpu.memory_space<vmem_shared>>
        tpu.wait_dma2 semaphore(%run_scoped3A : memref<!tpu.dma_semaphore, #tpu.memory_space<semaphore_mem>>) src(%arg7 : memref<40x128xf32, #tpu.memory_space<vmem>>) dst(%dma_wait3A_34 : memref<40x128xf32, #tpu.memory_space<vmem_shared>>)
        tpu.yield
      }) : () -> ()
    }
    %scan3A_11 = arith.constant 15 : i32
    %add3A_12 = arith.constant 600 : i32
    %add3A_13 = arith.addi %mul3A_2, %add3A_12 : i32
    "tpu.region"() ({
      %run_scoped3A = tpu.sem_alloc : memref<!tpu.dma_semaphore, #tpu.memory_space<semaphore_mem>>
      %dma_start3A = arith.constant 0 : i32
      %dma_start3A_23 = arith.constant 0 : i32
      %dma_start3A_24 = tpu.memref_slice %arg7[%dma_start3A, %dma_start3A_23] : memref<40x128xf32, #tpu.memory_space<vmem>> -> memref<32x128xf32, #tpu.memory_space<vmem>>
      %dma_start3A_25 = arith.constant 0 : i32
      %dma_start3A_26 = tpu.memref_slice %arg8[%add3A_13, %dma_start3A_25] : memref<10112x128xf32, #tpu.memory_space<vmem_shared>> -> memref<32x128xf32, #tpu.memory_space<vmem_shared>>
      %dma_start3A_27 = arith.constant 0 : i32
      %dma_start3A_28 = tpu.memref_slice %arg8[%add3A_13, %dma_start3A_27] : memref<10112x128xf32, #tpu.memory_space<vmem_shared>> -> memref<32x128xf32, #tpu.memory_space<vmem_shared>>
      %dma_start3A_29 = arith.constant 0 : i32
      %dma_start3A_30 = arith.constant 0 : i32
      %dma_start3A_31 = tpu.memref_slice %arg7[%dma_start3A_29, %dma_start3A_30] : memref<40x128xf32, #tpu.memory_space<vmem>> -> memref<32x128xf32, #tpu.memory_space<vmem>>
      tpu.enqueue_dma source(%dma_start3A_31 : memref<32x128xf32, #tpu.memory_space<vmem>>) target(%dma_start3A_28 : memref<32x128xf32, #tpu.memory_space<vmem_shared>>) target_semaphore(%run_scoped3A : memref<!tpu.dma_semaphore, #tpu.memory_space<semaphore_mem>>)
      %dma_wait3A = arith.constant 0 : i32
      %dma_wait3A_32 = arith.constant 0 : i32
      %dma_wait3A_33 = tpu.memref_slice %arg7[%dma_wait3A, %dma_wait3A_32] : memref<40x128xf32, #tpu.memory_space<vmem>> -> memref<32x128xf32, #tpu.memory_space<vmem>>
      %dma_wait3A_34 = arith.constant 0 : i32
      %dma_wait3A_35 = tpu.memref_slice %arg8[%add3A_13, %dma_wait3A_34] : memref<10112x128xf32, #tpu.memory_space<vmem_shared>> -> memref<32x128xf32, #tpu.memory_space<vmem_shared>>
      %dma_wait3A_36 = arith.constant 0 : i32
      %dma_wait3A_37 = tpu.memref_slice %arg8[%add3A_13, %dma_wait3A_36] : memref<10112x128xf32, #tpu.memory_space<vmem_shared>> -> memref<32x128xf32, #tpu.memory_space<vmem_shared>>
      %dma_wait3A_38 = arith.constant 0 : i32
      %dma_wait3A_39 = arith.constant 0 : i32
      %dma_wait3A_40 = tpu.memref_slice %arg7[%dma_wait3A_38, %dma_wait3A_39] : memref<40x128xf32, #tpu.memory_space<vmem>> -> memref<32x128xf32, #tpu.memory_space<vmem>>
      tpu.wait_dma2 semaphore(%run_scoped3A : memref<!tpu.dma_semaphore, #tpu.memory_space<semaphore_mem>>) src(%dma_wait3A_40 : memref<32x128xf32, #tpu.memory_space<vmem>>) dst(%dma_wait3A_37 : memref<32x128xf32, #tpu.memory_space<vmem_shared>>)
      tpu.yield
    }) : () -> ()
    "tpu.region"() ({
      %run_scoped3A = tpu.sem_alloc : memref<!tpu.dma_semaphore, #tpu.memory_space<semaphore_mem>>
      %dma_start3A = arith.constant 0 : i32
      %dma_start3A_23 = arith.constant 0 : i32
      %dma_start3A_24 = arith.constant 0 : i32
      %dma_start3A_25 = tpu.memref_slice %arg3[%add3A, %dma_start3A, %dma_start3A_23, %dma_start3A_24] : memref<32x125x2x80xi32, #tpu.memory_space<hbm>> -> memref<1x125x2x80xi32, #tpu.memory_space<hbm>>
      %dma_start3A_26 = tpu.memref_squeeze %dma_start3A_25 : memref<1x125x2x80xi32, #tpu.memory_space<hbm>> -> memref<125x2x80xi32, #tpu.memory_space<hbm>>
      %dma_start3A_27 = arith.constant 0 : i32
      %dma_start3A_28 = arith.constant 0 : i32
      %dma_start3A_29 = arith.constant 0 : i32
      %dma_start3A_30 = tpu.memref_slice %arg3[%add3A, %dma_start3A_27, %dma_start3A_28, %dma_start3A_29] : memref<32x125x2x80xi32, #tpu.memory_space<hbm>> -> memref<1x125x2x80xi32, #tpu.memory_space<hbm>>
      %dma_start3A_31 = tpu.memref_squeeze %dma_start3A_30 : memref<1x125x2x80xi32, #tpu.memory_space<hbm>> -> memref<125x2x80xi32, #tpu.memory_space<hbm>>
      tpu.enqueue_dma source(%dma_start3A_31 : memref<125x2x80xi32, #tpu.memory_space<hbm>>) target(%arg5 : memref<125x2x80xi32, #tpu.memory_space<vmem>>) target_semaphore(%run_scoped3A : memref<!tpu.dma_semaphore, #tpu.memory_space<semaphore_mem>>)
      %dma_wait3A = arith.constant 0 : i32
      %dma_wait3A_32 = arith.constant 0 : i32
      %dma_wait3A_33 = arith.constant 0 : i32
      %dma_wait3A_34 = tpu.memref_slice %arg3[%add3A, %dma_wait3A, %dma_wait3A_32, %dma_wait3A_33] : memref<32x125x2x80xi32, #tpu.memory_space<hbm>> -> memref<1x125x2x80xi32, #tpu.memory_space<hbm>>
      %dma_wait3A_35 = tpu.memref_squeeze %dma_wait3A_34 : memref<1x125x2x80xi32, #tpu.memory_space<hbm>> -> memref<125x2x80xi32, #tpu.memory_space<hbm>>
      %dma_wait3A_36 = arith.constant 0 : i32
      %dma_wait3A_37 = arith.constant 0 : i32
      %dma_wait3A_38 = arith.constant 0 : i32
      %dma_wait3A_39 = tpu.memref_slice %arg3[%add3A, %dma_wait3A_36, %dma_wait3A_37, %dma_wait3A_38] : memref<32x125x2x80xi32, #tpu.memory_space<hbm>> -> memref<1x125x2x80xi32, #tpu.memory_space<hbm>>
      %dma_wait3A_40 = tpu.memref_squeeze %dma_wait3A_39 : memref<1x125x2x80xi32, #tpu.memory_space<hbm>> -> memref<125x2x80xi32, #tpu.memory_space<hbm>>
      tpu.wait_dma2 semaphore(%run_scoped3A : memref<!tpu.dma_semaphore, #tpu.memory_space<semaphore_mem>>) src(%dma_wait3A_40 : memref<125x2x80xi32, #tpu.memory_space<hbm>>) dst(%arg5 : memref<125x2x80xi32, #tpu.memory_space<vmem>>)
      tpu.yield
    }) : () -> ()
    %barrier3A = arith.constant 0 : index
    tpu.barrier barrier_id(%barrier3A)
    %scan3A_14 = arith.constant 0 : i32
    %scan3A_15 = arith.constant 125 : i32
    %scan3A_16 = arith.addi %scan3A_14, %scan3A_15 : i32
    %scan3A_17 = arith.constant 1 : i32
    scf.for %scan3A_23 = %scan3A_14 to %scan3A_16 step %scan3A_17  : i32 {
      %mul3A_24 = arith.constant 1 : i32
      %mul3A_25 = arith.muli %scan3A_23, %mul3A_24 : i32
      %add3A_26 = arith.constant 0 : i32
      %add3A_27 = arith.addi %add3A_26, %mul3A_25 : i32
      %run_scoped3A = arith.constant 0 : i32
      "tpu.region"() ({
        %run_scoped3A_29 = tpu.sem_alloc : memref<!tpu.dma_semaphore, #tpu.memory_space<semaphore_mem>>
        %dma_start3A = arith.constant 0 : i32
        %dma_start3A_30 = tpu.memref_slice %arg5[%add3A_27, %run_scoped3A, %dma_start3A] : memref<125x2x80xi32, #tpu.memory_space<vmem>> -> memref<1x1x80xi32, #tpu.memory_space<vmem>>
        %dma_start3A_31 = tpu.memref_squeeze %dma_start3A_30 : memref<1x1x80xi32, #tpu.memory_space<vmem>> -> memref<80xi32, #tpu.memory_space<vmem>>
        %dma_start3A_32 = arith.constant 0 : i32
        %dma_start3A_33 = arith.constant 0 : i32
        %dma_start3A_34 = tpu.memref_slice %arg2[%dma_start3A_32, %dma_start3A_33] : memref<10000x128xf32, #tpu.memory_space<hbm>> -> memref<10000x128xf32, #tpu.memory_space<hbm>>
        tpu.enqueue_indirect_dma source(%dma_start3A_34 : memref<10000x128xf32, #tpu.memory_space<hbm>>) target(%arg6 : memref<80x128xf32, #tpu.memory_space<vmem>>) offsets(%dma_start3A_31 : memref<80xi32, #tpu.memory_space<vmem>>) semaphore(%run_scoped3A_29 : memref<!tpu.dma_semaphore, #tpu.memory_space<semaphore_mem>>)
        %dma_wait3A = arith.constant 0 : i32
        %dma_wait3A_35 = tpu.memref_slice %arg5[%add3A_27, %run_scoped3A, %dma_wait3A] : memref<125x2x80xi32, #tpu.memory_space<vmem>> -> memref<1x1x80xi32, #tpu.memory_space<vmem>>
        %dma_wait3A_36 = tpu.memref_squeeze %dma_wait3A_35 : memref<1x1x80xi32, #tpu.memory_space<vmem>> -> memref<80xi32, #tpu.memory_space<vmem>>
        %dma_wait3A_37 = arith.constant 0 : i32
        %dma_wait3A_38 = arith.constant 0 : i32
        %dma_wait3A_39 = tpu.memref_slice %arg2[%dma_wait3A_37, %dma_wait3A_38] : memref<10000x128xf32, #tpu.memory_space<hbm>> -> memref<10000x128xf32, #tpu.memory_space<hbm>>
        tpu.wait_indirect_dma semaphore(%run_scoped3A_29 : memref<!tpu.dma_semaphore, #tpu.memory_space<semaphore_mem>>) src(%dma_wait3A_39 : memref<10000x128xf32, #tpu.memory_space<hbm>>) dst(%arg6 : memref<80x128xf32, #tpu.memory_space<vmem>>)
        tpu.yield
      }) : () -> ()
      %run_scoped3A_28 = arith.constant 1 : i32
      "tpu.region"() ({
        %run_scoped3A_29 = tpu.sem_alloc : memref<!tpu.dma_semaphore, #tpu.memory_space<semaphore_mem>>
        %dma_start3A = arith.constant 0 : i32
        %dma_start3A_30 = tpu.memref_slice %arg5[%add3A_27, %run_scoped3A_28, %dma_start3A] : memref<125x2x80xi32, #tpu.memory_space<vmem>> -> memref<1x1x80xi32, #tpu.memory_space<vmem>>
        %dma_start3A_31 = tpu.memref_squeeze %dma_start3A_30 : memref<1x1x80xi32, #tpu.memory_space<vmem>> -> memref<80xi32, #tpu.memory_space<vmem>>
        %dma_start3A_32 = arith.constant 0 : i32
        %dma_start3A_33 = arith.constant 0 : i32
        %dma_start3A_34 = tpu.memref_slice %arg8[%dma_start3A_32, %dma_start3A_33] : memref<10112x128xf32, #tpu.memory_space<vmem_shared>> -> memref<10112x128xf32, #tpu.memory_space<vmem_shared>>
        tpu.enqueue_indirect_dma source(%arg6 : memref<80x128xf32, #tpu.memory_space<vmem>>) target(%dma_start3A_34 : memref<10112x128xf32, #tpu.memory_space<vmem_shared>>) offsets(%dma_start3A_31 : memref<80xi32, #tpu.memory_space<vmem>>) semaphore(%run_scoped3A_29 : memref<!tpu.dma_semaphore, #tpu.memory_space<semaphore_mem>>) {add = true}
        %dma_wait3A = arith.constant 0 : i32
        %dma_wait3A_35 = tpu.memref_slice %arg5[%add3A_27, %run_scoped3A_28, %dma_wait3A] : memref<125x2x80xi32, #tpu.memory_space<vmem>> -> memref<1x1x80xi32, #tpu.memory_space<vmem>>
        %dma_wait3A_36 = tpu.memref_squeeze %dma_wait3A_35 : memref<1x1x80xi32, #tpu.memory_space<vmem>> -> memref<80xi32, #tpu.memory_space<vmem>>
        %dma_wait3A_37 = arith.constant 0 : i32
        %dma_wait3A_38 = arith.constant 0 : i32
        %dma_wait3A_39 = tpu.memref_slice %arg8[%dma_wait3A_37, %dma_wait3A_38] : memref<10112x128xf32, #tpu.memory_space<vmem_shared>> -> memref<10112x128xf32, #tpu.memory_space<vmem_shared>>
        tpu.wait_indirect_dma semaphore(%run_scoped3A_29 : memref<!tpu.dma_semaphore, #tpu.memory_space<semaphore_mem>>) src(%arg6 : memref<80x128xf32, #tpu.memory_space<vmem>>) dst(%dma_wait3A_39 : memref<10112x128xf32, #tpu.memory_space<vmem_shared>>)
        tpu.yield
      }) : () -> ()
    }
    %scan3A_18 = arith.constant 125 : i32
    %barrier3A_19 = arith.constant 0 : index
    tpu.barrier barrier_id(%barrier3A_19)
    %mul3A_20 = arith.constant 10112 : i32
    %mul3A_21 = arith.muli %arg0, %mul3A_20 : i32
    %add3A_22 = arith.addi %mul3A_21, %mul3A_2 : i32
    "tpu.region"() ({
      %run_scoped3A = tpu.sem_alloc : memref<!tpu.dma_semaphore, #tpu.memory_space<semaphore_mem>>
      %dma_start3A = arith.constant 0 : i32
      %dma_start3A_23 = tpu.memref_slice %arg4[%add3A_22, %dma_start3A] : memref<20224x128xf32, #tpu.memory_space<hbm>> -> memref<632x128xf32, #tpu.memory_space<hbm>>
      %dma_start3A_24 = arith.constant 0 : i32
      %dma_start3A_25 = tpu.memref_slice %arg8[%mul3A_2, %dma_start3A_24] : memref<10112x128xf32, #tpu.memory_space<vmem_shared>> -> memref<632x128xf32, #tpu.memory_space<vmem_shared>>
      tpu.enqueue_dma source(%dma_start3A_25 : memref<632x128xf32, #tpu.memory_space<vmem_shared>>) target(%dma_start3A_23 : memref<632x128xf32, #tpu.memory_space<hbm>>) target_semaphore(%run_scoped3A : memref<!tpu.dma_semaphore, #tpu.memory_space<semaphore_mem>>)
      %dma_wait3A = arith.constant 0 : i32
      %dma_wait3A_26 = tpu.memref_slice %arg4[%add3A_22, %dma_wait3A] : memref<20224x128xf32, #tpu.memory_space<hbm>> -> memref<632x128xf32, #tpu.memory_space<hbm>>
      %dma_wait3A_27 = arith.constant 0 : i32
      %dma_wait3A_28 = tpu.memref_slice %arg8[%mul3A_2, %dma_wait3A_27] : memref<10112x128xf32, #tpu.memory_space<vmem_shared>> -> memref<632x128xf32, #tpu.memory_space<vmem_shared>>
      tpu.wait_dma2 semaphore(%run_scoped3A : memref<!tpu.dma_semaphore, #tpu.memory_space<semaphore_mem>>) src(%dma_wait3A_28 : memref<632x128xf32, #tpu.memory_space<vmem_shared>>) dst(%dma_wait3A_26 : memref<632x128xf32, #tpu.memory_space<hbm>>)
      tpu.yield
    }) : () -> ()
    return
  }
}

module attributes {stable_mosaic.version = 14 : i64} {
  func.func @_mm_body(%arg0: i32, %arg1: memref<1024x128xf32, #tpu.memory_space<vmem>>, %arg2: memref<128x128xf32, #tpu.memory_space<vmem>>, %arg3: memref<1024x128xf32, #tpu.memory_space<vmem>>) attributes {dimension_semantics = [#tpu.dimension_semantics<arbitrary>], iteration_bounds = array<i64: 10>, scalar_prefetch = 0 : i64, scratch_operands = 0 : i64, tpu.core_type = #tpu.core_type<tc>, window_params = [{transform_indices = @transform_0, window_bounds = array<i64: 1024, 128>}, {pipeline_mode = #tpu.pipeline_mode<synchronous>, transform_indices = @transform_1, window_bounds = array<i64: 128, 128>}, {transform_indices = @transform_2, window_bounds = array<i64: 1024, 128>}]} {
    %get3A = arith.constant 0 : index
    %get3A_0 = arith.constant 0 : index
    %get3A_1 = vector.load %arg1[%get3A, %get3A_0] : memref<1024x128xf32, #tpu.memory_space<vmem>>, vector<1024x128xf32>
    %get3A_2 = arith.constant 0 : index
    %get3A_3 = arith.constant 0 : index
    %get3A_4 = vector.load %arg2[%get3A_2, %get3A_3] : memref<128x128xf32, #tpu.memory_space<vmem>>, vector<128x128xf32>
    %dot_general3A = arith.constant dense<0.000000e+00> : vector<1024x128xf32>
    %dot_general3A_5 = tpu.matmul %get3A_1, %get3A_4, %dot_general3A {dimension_numbers = #tpu.dot_dimension_numbers<[1], [1], [0], [0], [0, 0, 1, 0], [], []>, precision = #tpu.contract_precision<fp32>, transpose_lhs_hint = false} : vector<1024x128xf32>, vector<128x128xf32>, vector<1024x128xf32> -> vector<1024x128xf32>
    %swap3A = arith.constant 0 : index
    %swap3A_6 = arith.constant 0 : index
    %swap3A_7 = vector.load %arg3[%swap3A, %swap3A_6] : memref<1024x128xf32, #tpu.memory_space<vmem>>, vector<1024x128xf32>
    tpu.vector_store %arg3[%swap3A, %swap3A_6], %dot_general3A_5 {strides = array<i32>} : memref<1024x128xf32, #tpu.memory_space<vmem>>, vector<1024x128xf32>,
    return
  }
  func.func @transform_0(%arg0: i32) -> (i32, i32) {
    %c0_i32 = arith.constant 0 : i32
    %c0_i32_0 = arith.constant 0 : i32
    return %arg0, %c0_i32 : i32, i32
  }
  func.func @transform_1(%arg0: i32) -> (i32, i32) {
    %c0_i32 = arith.constant 0 : i32
    %c0_i32_0 = arith.constant 0 : i32
    %c0_i32_1 = arith.constant 0 : i32
    return %c0_i32, %c0_i32_0 : i32, i32
  }
  func.func @transform_2(%arg0: i32) -> (i32, i32) {
    %c0_i32 = arith.constant 0 : i32
    %c0_i32_0 = arith.constant 0 : i32
    return %arg0, %c0_i32 : i32, i32
  }
}

module attributes {stable_mosaic.version = 14 : i64} {
  func.func @_dis_y_body(%arg0: i32, %arg1: memref<32x1024xf32, #tpu.memory_space<vmem>>, %arg2: memref<1024x128xf32, #tpu.memory_space<vmem>>, %arg3: memref<1024x1xf32, #tpu.memory_space<vmem>>, %arg4: memref<1024x128xf32, #tpu.memory_space<vmem>>) attributes {dimension_semantics = [#tpu.dimension_semantics<arbitrary>], iteration_bounds = array<i64: 10>, scalar_prefetch = 0 : i64, scratch_operands = 0 : i64, tpu.core_type = #tpu.core_type<tc>, window_params = [{transform_indices = @transform_0, window_bounds = array<i64: 32, 1024>}, {transform_indices = @transform_1, window_bounds = array<i64: 1024, 128>}, {transform_indices = @transform_2, window_bounds = array<i64: 1024, 1>}, {transform_indices = @transform_3, window_bounds = array<i64: 1024, 128>}]} {
    %get3A = arith.constant 0 : index
    %get3A_0 = arith.constant 0 : index
    %get3A_1 = vector.load %arg1[%get3A, %get3A_0] : memref<32x1024xf32, #tpu.memory_space<vmem>>, vector<32x1024xf32>
    %reduce_sum3A = arith.constant dense<0.000000e+00> : vector<1024xf32>
    %reduce_sum3A_2 = vector.multi_reduction <add>, %get3A_1, %reduce_sum3A [0] : vector<32x1024xf32> to vector<1024xf32>
    %add3A = arith.constant 1.000000e+00 : f32
    %add3A_3 = vector.broadcast %add3A : f32 to vector<1024xf32>
    %add3A_4 = arith.addf %reduce_sum3A_2, %add3A_3 : vector<1024xf32>
    %rsqrt3A = math.rsqrt %add3A_4 : vector<1024xf32>
    %broadcast_in_dim3A = vector.shape_cast %rsqrt3A : vector<1024xf32> to vector<1024x1xf32>
    %swap3A = arith.constant 0 : index
    %swap3A_5 = arith.constant 0 : index
    %swap3A_6 = vector.load %arg3[%swap3A, %swap3A_5] : memref<1024x1xf32, #tpu.memory_space<vmem>>, vector<1024x1xf32>
    tpu.vector_store %arg3[%swap3A, %swap3A_5], %broadcast_in_dim3A {strides = array<i32>} : memref<1024x1xf32, #tpu.memory_space<vmem>>, vector<1024x1xf32>,
    %get3A_7 = arith.constant 0 : index
    %get3A_8 = arith.constant 0 : index
    %get3A_9 = vector.load %arg2[%get3A_7, %get3A_8] : memref<1024x128xf32, #tpu.memory_space<vmem>>, vector<1024x128xf32>
    %mul3A = vector.broadcast %broadcast_in_dim3A : vector<1024x1xf32> to vector<1024x128xf32>
    %mul3A_10 = arith.mulf %get3A_9, %mul3A : vector<1024x128xf32>
    %swap3A_11 = arith.constant 0 : index
    %swap3A_12 = arith.constant 0 : index
    %swap3A_13 = vector.load %arg4[%swap3A_11, %swap3A_12] : memref<1024x128xf32, #tpu.memory_space<vmem>>, vector<1024x128xf32>
    tpu.vector_store %arg4[%swap3A_11, %swap3A_12], %mul3A_10 {strides = array<i32>} : memref<1024x128xf32, #tpu.memory_space<vmem>>, vector<1024x128xf32>,
    return
  }
  func.func @transform_0(%arg0: i32) -> (i32, i32) {
    %c0_i32 = arith.constant 0 : i32
    %c0_i32_0 = arith.constant 0 : i32
    return %c0_i32, %arg0 : i32, i32
  }
  func.func @transform_1(%arg0: i32) -> (i32, i32) {
    %c0_i32 = arith.constant 0 : i32
    %c0_i32_0 = arith.constant 0 : i32
    return %arg0, %c0_i32 : i32, i32
  }
  func.func @transform_2(%arg0: i32) -> (i32, i32) {
    %c0_i32 = arith.constant 0 : i32
    %c0_i32_0 = arith.constant 0 : i32
    return %arg0, %c0_i32 : i32, i32
  }
  func.func @transform_3(%arg0: i32) -> (i32, i32) {
    %c0_i32 = arith.constant 0 : i32
    %c0_i32_0 = arith.constant 0 : i32
    return %arg0, %c0_i32 : i32, i32
  }
}

module attributes {stable_mosaic.version = 14 : i64} {
  func.func @_mid_body(%arg0: i32, %arg1: memref<2x1024x128xf32, #tpu.memory_space<vmem>>, %arg2: memref<1024x128xf32, #tpu.memory_space<vmem>>, %arg3: memref<1024x1xf32, #tpu.memory_space<vmem>>, %arg4: memref<128xf32, #tpu.memory_space<vmem>>, %arg5: memref<128x128xf32, #tpu.memory_space<vmem>>, %arg6: memref<1024x128xf32, #tpu.memory_space<vmem>>) attributes {dimension_semantics = [#tpu.dimension_semantics<arbitrary>], iteration_bounds = array<i64: 10>, scalar_prefetch = 0 : i64, scratch_operands = 0 : i64, tpu.core_type = #tpu.core_type<tc>, window_params = [{transform_indices = @transform_0, window_bounds = array<i64: 2, 1024, 128>}, {transform_indices = @transform_1, window_bounds = array<i64: 1024, 128>}, {transform_indices = @transform_2, window_bounds = array<i64: 1024, 1>}, {pipeline_mode = #tpu.pipeline_mode<synchronous>, transform_indices = @transform_3, window_bounds = array<i64: 128>}, {pipeline_mode = #tpu.pipeline_mode<synchronous>, transform_indices = @transform_4, window_bounds = array<i64: 128, 128>}, {transform_indices = @transform_5, window_bounds = array<i64: 1024, 128>}]} {
    %get3A = arith.constant 0 : index
    %get3A_0 = arith.constant 0 : index
    %get3A_1 = vector.load %arg3[%get3A, %get3A_0] : memref<1024x1xf32, #tpu.memory_space<vmem>>, vector<1024x1xf32>
    %get3A_2 = arith.constant 0 : index
    %get3A_3 = arith.constant 0 : index
    %get3A_4 = arith.constant 0 : index
    %get3A_5 = vector.load %arg1[%get3A_2, %get3A_3, %get3A_4] : memref<2x1024x128xf32, #tpu.memory_space<vmem>>, vector<1x1024x128xf32>
    %get3A_6 = vector.shape_cast %get3A_5 : vector<1x1024x128xf32> to vector<1024x128xf32>
    %get3A_7 = arith.constant 1 : index
    %get3A_8 = arith.constant 0 : index
    %get3A_9 = arith.constant 0 : index
    %get3A_10 = vector.load %arg1[%get3A_7, %get3A_8, %get3A_9] : memref<2x1024x128xf32, #tpu.memory_space<vmem>>, vector<1x1024x128xf32>
    %get3A_11 = vector.shape_cast %get3A_10 : vector<1x1024x128xf32> to vector<1024x128xf32>
    %add3A = arith.addf %get3A_6, %get3A_11 : vector<1024x128xf32>
    %get3A_12 = arith.constant 0 : index
    %get3A_13 = arith.constant 0 : index
    %get3A_14 = vector.load %arg2[%get3A_12, %get3A_13] : memref<1024x128xf32, #tpu.memory_space<vmem>>, vector<1024x128xf32>
    %add3A_15 = arith.addf %add3A, %get3A_14 : vector<1024x128xf32>
    %mul3A = vector.broadcast %get3A_1 : vector<1024x1xf32> to vector<1024x128xf32>
    %mul3A_16 = arith.mulf %add3A_15, %mul3A : vector<1024x128xf32>
    %get3A_17 = arith.constant 0 : index
    %get3A_18 = vector.load %arg4[%get3A_17] : memref<128xf32, #tpu.memory_space<vmem>>, vector<128xf32>
    %broadcast_in_dim3A = vector.shape_cast %get3A_18 : vector<128xf32> to vector<1x128xf32>
    %add3A_19 = vector.broadcast %broadcast_in_dim3A : vector<1x128xf32> to vector<1024x128xf32>
    %add3A_20 = arith.addf %mul3A_16, %add3A_19 : vector<1024x128xf32>
    %max3A = arith.constant 0.000000e+00 : f32
    %max3A_21 = vector.broadcast %max3A : f32 to vector<1024x128xf32>
    %max3A_22 = arith.maximumf %add3A_20, %max3A_21 : vector<1024x128xf32>
    %get3A_23 = arith.constant 0 : index
    %get3A_24 = arith.constant 0 : index
    %get3A_25 = vector.load %arg5[%get3A_23, %get3A_24] : memref<128x128xf32, #tpu.memory_space<vmem>>, vector<128x128xf32>
    %dot_general3A = arith.constant dense<0.000000e+00> : vector<1024x128xf32>
    %dot_general3A_26 = tpu.matmul %max3A_22, %get3A_25, %dot_general3A {dimension_numbers = #tpu.dot_dimension_numbers<[1], [1], [0], [0], [0, 0, 1, 0], [], []>, precision = #tpu.contract_precision<fp32>, transpose_lhs_hint = false} : vector<1024x128xf32>, vector<128x128xf32>, vector<1024x128xf32> -> vector<1024x128xf32>
    %mul3A_27 = vector.broadcast %get3A_1 : vector<1024x1xf32> to vector<1024x128xf32>
    %mul3A_28 = arith.mulf %dot_general3A_26, %mul3A_27 : vector<1024x128xf32>
    %swap3A = arith.constant 0 : index
    %swap3A_29 = arith.constant 0 : index
    %swap3A_30 = vector.load %arg6[%swap3A, %swap3A_29] : memref<1024x128xf32, #tpu.memory_space<vmem>>, vector<1024x128xf32>
    tpu.vector_store %arg6[%swap3A, %swap3A_29], %mul3A_28 {strides = array<i32>} : memref<1024x128xf32, #tpu.memory_space<vmem>>, vector<1024x128xf32>,
    return
  }
  func.func @transform_0(%arg0: i32) -> (i32, i32, i32) {
    %c0_i32 = arith.constant 0 : i32
    %c0_i32_0 = arith.constant 0 : i32
    %c0_i32_1 = arith.constant 0 : i32
    return %c0_i32, %arg0, %c0_i32_0 : i32, i32, i32
  }
  func.func @transform_1(%arg0: i32) -> (i32, i32) {
    %c0_i32 = arith.constant 0 : i32
    %c0_i32_0 = arith.constant 0 : i32
    return %arg0, %c0_i32 : i32, i32
  }
  func.func @transform_2(%arg0: i32) -> (i32, i32) {
    %c0_i32 = arith.constant 0 : i32
    %c0_i32_0 = arith.constant 0 : i32
    return %arg0, %c0_i32 : i32, i32
  }
  func.func @transform_3(%arg0: i32) -> i32 {
    %c0_i32 = arith.constant 0 : i32
    %c0_i32_0 = arith.constant 0 : i32
    return %c0_i32 : i32
  }
  func.func @transform_4(%arg0: i32) -> (i32, i32) {
    %c0_i32 = arith.constant 0 : i32
    %c0_i32_0 = arith.constant 0 : i32
    %c0_i32_1 = arith.constant 0 : i32
    return %c0_i32, %c0_i32_0 : i32, i32
  }
  func.func @transform_5(%arg0: i32) -> (i32, i32) {
    %c0_i32 = arith.constant 0 : i32
    %c0_i32_0 = arith.constant 0 : i32
    return %arg0, %c0_i32 : i32, i32
  }
}

module attributes {stable_mosaic.version = 14 : i64} {
  func.func @_final_body(%arg0: i32, %arg1: memref<2x1024x128xf32, #tpu.memory_space<vmem>>, %arg2: memref<1024x128xf32, #tpu.memory_space<vmem>>, %arg3: memref<1024x1xf32, #tpu.memory_space<vmem>>, %arg4: memref<128xf32, #tpu.memory_space<vmem>>, %arg5: memref<1024x128xf32, #tpu.memory_space<vmem>>) attributes {dimension_semantics = [#tpu.dimension_semantics<arbitrary>], iteration_bounds = array<i64: 10>, scalar_prefetch = 0 : i64, scratch_operands = 0 : i64, tpu.core_type = #tpu.core_type<tc>, window_params = [{transform_indices = @transform_0, window_bounds = array<i64: 2, 1024, 128>}, {transform_indices = @transform_1, window_bounds = array<i64: 1024, 128>}, {transform_indices = @transform_2, window_bounds = array<i64: 1024, 1>}, {pipeline_mode = #tpu.pipeline_mode<synchronous>, transform_indices = @transform_3, window_bounds = array<i64: 128>}, {transform_indices = @transform_4, window_bounds = array<i64: 1024, 128>}]} {
    %get3A = arith.constant 0 : index
    %get3A_0 = arith.constant 0 : index
    %get3A_1 = arith.constant 0 : index
    %get3A_2 = vector.load %arg1[%get3A, %get3A_0, %get3A_1] : memref<2x1024x128xf32, #tpu.memory_space<vmem>>, vector<1x1024x128xf32>
    %get3A_3 = vector.shape_cast %get3A_2 : vector<1x1024x128xf32> to vector<1024x128xf32>
    %get3A_4 = arith.constant 1 : index
    %get3A_5 = arith.constant 0 : index
    %get3A_6 = arith.constant 0 : index
    %get3A_7 = vector.load %arg1[%get3A_4, %get3A_5, %get3A_6] : memref<2x1024x128xf32, #tpu.memory_space<vmem>>, vector<1x1024x128xf32>
    %get3A_8 = vector.shape_cast %get3A_7 : vector<1x1024x128xf32> to vector<1024x128xf32>
    %add3A = arith.addf %get3A_3, %get3A_8 : vector<1024x128xf32>
    %get3A_9 = arith.constant 0 : index
    %get3A_10 = arith.constant 0 : index
    %get3A_11 = vector.load %arg2[%get3A_9, %get3A_10] : memref<1024x128xf32, #tpu.memory_space<vmem>>, vector<1024x128xf32>
    %add3A_12 = arith.addf %add3A, %get3A_11 : vector<1024x128xf32>
    %get3A_13 = arith.constant 0 : index
    %get3A_14 = arith.constant 0 : index
    %get3A_15 = vector.load %arg3[%get3A_13, %get3A_14] : memref<1024x1xf32, #tpu.memory_space<vmem>>, vector<1024x1xf32>
    %mul3A = vector.broadcast %get3A_15 : vector<1024x1xf32> to vector<1024x128xf32>
    %mul3A_16 = arith.mulf %add3A_12, %mul3A : vector<1024x128xf32>
    %get3A_17 = arith.constant 0 : index
    %get3A_18 = vector.load %arg4[%get3A_17] : memref<128xf32, #tpu.memory_space<vmem>>, vector<128xf32>
    %broadcast_in_dim3A = vector.shape_cast %get3A_18 : vector<128xf32> to vector<1x128xf32>
    %add3A_19 = vector.broadcast %broadcast_in_dim3A : vector<1x128xf32> to vector<1024x128xf32>
    %add3A_20 = arith.addf %mul3A_16, %add3A_19 : vector<1024x128xf32>
    %max3A = arith.constant 0.000000e+00 : f32
    %max3A_21 = vector.broadcast %max3A : f32 to vector<1024x128xf32>
    %max3A_22 = arith.maximumf %add3A_20, %max3A_21 : vector<1024x128xf32>
    %swap3A = arith.constant 0 : index
    %swap3A_23 = arith.constant 0 : index
    %swap3A_24 = vector.load %arg5[%swap3A, %swap3A_23] : memref<1024x128xf32, #tpu.memory_space<vmem>>, vector<1024x128xf32>
    tpu.vector_store %arg5[%swap3A, %swap3A_23], %max3A_22 {strides = array<i32>} : memref<1024x128xf32, #tpu.memory_space<vmem>>, vector<1024x128xf32>,
    return
  }
  func.func @transform_0(%arg0: i32) -> (i32, i32, i32) {
    %c0_i32 = arith.constant 0 : i32
    %c0_i32_0 = arith.constant 0 : i32
    %c0_i32_1 = arith.constant 0 : i32
    return %c0_i32, %arg0, %c0_i32_0 : i32, i32, i32
  }
  func.func @transform_1(%arg0: i32) -> (i32, i32) {
    %c0_i32 = arith.constant 0 : i32
    %c0_i32_0 = arith.constant 0 : i32
    return %arg0, %c0_i32 : i32, i32
  }
  func.func @transform_2(%arg0: i32) -> (i32, i32) {
    %c0_i32 = arith.constant 0 : i32
    %c0_i32_0 = arith.constant 0 : i32
    return %arg0, %c0_i32 : i32, i32
  }
  func.func @transform_3(%arg0: i32) -> i32 {
    %c0_i32 = arith.constant 0 : i32
    %c0_i32_0 = arith.constant 0 : i32
    return %c0_i32 : i32
  }
  func.func @transform_4(%arg0: i32) -> (i32, i32) {
    %c0_i32 = arith.constant 0 : i32
    %c0_i32_0 = arith.constant 0 : i32
    return %arg0, %c0_i32 : i32, i32
  }
}

</mosaic_0001>

<sc_bundles>
// kernel: kernel.12.cloned.1.call-start
scs
__scs_entry_jumppad:
0x0: {  	(pc) =	sbr.rel $0x88, $3  }
0x1: {  	(tag) =	ssettag $0x0;
	lr =	simm.s32 $0x1  }
0x2: {  	[smem:$0x3F9B] =	sst lr;
	_ =	strace $0xD0000000  }
0x3: {  	_ = 	snop  }
0x4: {  	_ = 	snop  }
0x5: {  	_ = 	snop  }
0x6: {  	_ = 	snop  }
0x7: {  	_ = 	snop  }
__scs_overlays_trampoline_lowered:
0x8: {  	[smem:$0x3FAA] =	sst s0  }
0x9: {  	[smem:$0x3FAB] =	sst s1  }
0xa: {  	[smem:$0x3FAC] =	sst s2  }
0xb: {  	[smem:$0x3FAD] =	sst s3  }
0xc: {  	[smem:$0x3FAE] =	sst s4  }
0xd: {  	[smem:$0x3FAF] =	sst s5  }
0xe: {  	[smem:$0x3FB0] =	sst s6  }
0xf: {  	[smem:$0x3FB1] =	sst s7  }
0x10: {  	[smem:$0x3FB2] =	sst s8  }
0x11: {  	[smem:$0x3FB3] =	sst s9;
	s0 =	simm.s32 @!p0 $0x0  }
0x12: {  	s1 =	sld [smem:$0x3F99];
	s0 =	simm.s32 @p0 $0x1  }
0x13: {  	[smem:$0x3FB4] =	sst s0;
	s0 =	simm.s32 @!p1 $0x0  }
0x14: {  	s2 =	sld [smem:$0x3F98];
	s0 =	simm.s32 @p1 $0x1  }
0x15: {  	[smem:$0x3FB5] =	sst s0;
	s0 =	simm.s32 @!p2 $0x0  }
0x16: {  	s3 =	sld [smem:$0x3FDB];
	s0 =	simm.s32 @p2 $0x1  }
0x17: {  	s4 =	simm.s32 $0x1BF5;
	[smem:$0x3FB7] =	sst s0  }
0x18: {  	s0 =	sld [smem:$0x3F9A];
	_ =	swait.ge [sflag:s4], $0x0  }
0x19: {  	s7 =	sld [smem:$0x3F9B]  }
0x1a: {  	s8 =	sadd.s32 $0xFFFFE003, lr  }
0x1b: {  	s9 =	sadd.s32 $0xFFFFFEF7, lr;
	s5 =	simm.s32 $0xFFFFFFFF;
	p2 =	slt.u32 s8, $0xFFFFF086  }
0x1c: {  	p1 =	slt.u32 s9, $0xF7A;
	s5 =	simm.s32 @!p2 $0x0  }
0x1d: {  	s5 =	simm.s32 @p1 $0x1;
	p0 =	seq.s32 s7, s2  }
0x1e: {  	s7 =	smul.u32 @!p0 $0xF7A, s2;
	p2 =	seq.s32 @!p0 s5, $0x0  }
0x1f: {  	s9 =	smul.u32 $0xF7A, s1;
	s8 =	simm.s32 @!p0 $0x1BF5;
	p2 =	por !p2, p0  }
0x20: {  	[sflag:s8] =	ssyncset.s32 @!p0 $0xFFFFF086;
	s6 =	sadd.s32 @!p0 s3, s7;
	s7 =	simm.s32 @!p0 $0x108  }
0x21: {  	s3 =	sadd.s32 s3, s9;
	s6 =	sadd.s32 @!p0 $0x88, s6;
	s7 =	simm.s32 @p2 $0x1082  }
0x22: {  	[simem:s7], [sflag:s8] =	dma.local @!p0 [hbm:s6], $0xF7A  }
0x23: {  	s9 =	sor.u32 $0xD0000000, s2;
	s6 =	simm.s32 $0x108;
	_ =	swait.ge @!p0 [sflag:s8], $0x0  }
0x24: {  	s3 =	sadd.s32 $0x88, s3;
	s6 =	simm.s32 @!p1 $0x1082;
	[sflag:s4] =	ssyncset.s32 $0xFFFFF086  }
0x25: {  	[simem:s6], [sflag:s4] =	dma.local [hbm:s3], $0xF7A  }
0x26: {  	[smem:$0x3F9B] =	sst s1;
	(tag) =	ssettag s2;
	_ =	strace s9  }
0x27: {  	s1 =	sld [smem:$0x3FAB]  }
0x28: {  	s2 =	sld [smem:$0x3FAC]  }
0x29: {  	s4 =	sld [smem:$0x3FAE]  }
0x2a: {  	p0 =	seq.s32 s5, $0x0;
	s5 =	sld [smem:$0x3FAF]  }
0x2b: {  	s6 =	sld [smem:$0x3FB0]  }
0x2c: {  	s7 =	sld [smem:$0x3FB1]  }
0x2d: {  	s3 =	simm.s32 $0x108;
	s8 =	sld [smem:$0x3FB2]  }
0x2e: {  	s3 =	simm.s32 @!p0 $0x1082;
	s9 =	sld [smem:$0x3FB3]  }
0x2f: {  	lr =	sadd.s32 s0, s3;
	s0 =	sld [smem:$0x3FAA]  }
0x30: {  	s3 =	sld [smem:$0x3FAD]  }
0x31: {  	[smem:$0x3FB6] =	sst s10  }
0x32: {  	s10 =	sld [smem:$0x3FB4];
	_ =	sdelay $0x3  }
0x33: {  	p0 =	seq.s32 s10, $0x1;
	s10 =	sld [smem:$0x3FB6];
	_ =	sdelay $0x3  }
0x34: {  	[smem:$0x3FB6] =	sst s10  }
0x35: {  	s10 =	sld [smem:$0x3FB5];
	_ =	sdelay $0x3  }
0x36: {  	p1 =	seq.s32 s10, $0x1;
	s10 =	sld [smem:$0x3FB6];
	_ =	sdelay $0x3  }
0x37: {  	[smem:$0x3FB6] =	sst s10  }
0x38: {  	s10 =	sld [smem:$0x3FB7]  }
0x39: {  	_ = 	snop;
	(pc) =	sbr.ind lr, $3  }
0x3a: {  	_ = 	snop  }
0x3b: {  	_ = 	snop  }
0x3c: {  	p2 =	seq.s32 s10, $0x1;
	s10 =	sld [smem:$0x3FB6]  }
0x3d: {  	_ =	shalt  }
0x3e: {  	_ =	shalt  }
0x3f: {  	_ =	shalt  }
0x40: {  	_ =	shalt  }
0x41: {  	_ =	shalt  }
0x42: {  	_ =	shalt  }
0x43: {  	_ =	shalt  }
0x44: {  	_ =	shalt  }
0x45: {  	_ =	shalt  }
0x46: {  	_ =	shalt  }
0x47: {  	_ =	shalt  }
0x48: {  	_ =	shalt  }
0x49: {  	_ =	shalt  }
0x4a: {  	_ =	shalt  }
0x4b: {  	_ =	shalt  }
0x4c: {  	_ =	shalt  }
0x4d: {  	_ =	shalt  }
0x4e: {  	_ =	shalt  }
0x4f: {  	_ =	shalt  }
0x50: {  	_ =	shalt  }
0x51: {  	_ =	shalt  }
0x52: {  	_ =	shalt  }
0x53: {  	_ =	shalt  }
0x54: {  	_ =	shalt  }
0x55: {  	_ =	shalt  }
0x56: {  	_ =	shalt  }
0x57: {  	_ =	shalt  }
0x58: {  	_ =	shalt  }
0x59: {  	_ =	shalt  }
0x5a: {  	_ =	shalt  }
0x5b: {  	_ =	shalt  }
0x5c: {  	_ =	shalt  }
0x5d: {  	_ =	shalt  }
0x5e: {  	_ =	shalt  }
0x5f: {  	_ =	shalt  }
0x60: {  	_ =	shalt  }
0x61: {  	_ =	shalt  }
0x62: {  	_ =	shalt  }
0x63: {  	_ =	shalt  }
0x64: {  	_ =	shalt  }
0x65: {  	_ =	shalt  }
0x66: {  	_ =	shalt  }
0x67: {  	_ =	shalt  }
0x68: {  	_ =	shalt  }
0x69: {  	_ =	shalt  }
0x6a: {  	_ =	shalt  }
0x6b: {  	_ =	shalt  }
0x6c: {  	_ =	shalt  }
0x6d: {  	_ =	shalt  }
0x6e: {  	_ =	shalt  }
0x6f: {  	_ =	shalt  }
0x70: {  	_ =	shalt  }
0x71: {  	_ =	shalt  }
0x72: {  	_ =	shalt  }
0x73: {  	_ =	shalt  }
0x74: {  	_ =	shalt  }
0x75: {  	_ =	shalt  }
0x76: {  	_ =	shalt  }
0x77: {  	_ =	shalt  }
0x78: {  	_ =	shalt  }
0x79: {  	_ =	shalt  }
0x7a: {  	_ =	shalt  }
0x7b: {  	_ =	shalt  }
0x7c: {  	_ =	shalt  }
0x7d: {  	_ =	shalt  }
0x7e: {  	_ =	shalt  }
0x7f: {  	_ =	shalt  }
0x80: {  	_ =	shalt  }
0x81: {  	_ =	shalt  }
0x82: {  	_ =	shalt  }
0x83: {  	_ =	shalt  }
0x84: {  	_ =	shalt  }
0x85: {  	_ =	shalt  }
0x86: {  	_ =	shalt  }
0x87: {  	_ =	shalt  }
.Lfunc_end0:
.L_simem_size_0:
called_computation.1_lowered:
.L_overlay_start_0:
0x88: {  	s2 =	sld [smem:$0x3FD9]  }
0x89: {  	s3 =	sld [smem:$0x3FFE];
	_ =	sdelay $0x1  }
0x8a: {  	s1 =	srdreg.scid  }
0x8b: {  	s0 =	sand.u32 $0x1, s1  }
0x8c: {  	s17 =	sshll.u32 s0, $0xA;
	s2 =	sadd.s32 s3, s2  }
0x8d: {  	s2 =	sadd.s32 s2, s17  }
0x8e: {  	[smem:$0x3FC2] =	sst s2  }
0x8f: {  	_ = 	snop  }
0x90: {  	s2 =	sld [smem:$0x3FD0];
	(tm) =	ssettm $0x1  }
0x91: {  	s18 =	sld [smem:$0x3FFB];
	_ =	sdelay $0x3  }
0x92: {  	_ =	strace s18  }
0x93: {  	s3 =	sld [smem:$0x3FFC];
	_ =	sdelay $0x3  }
0x94: {  	_ =	strace s3  }
0x95: {  	s3 =	sld [smem:$0x3FFD];
	_ =	sdelay $0x3  }
0x96: {  	_ =	strace s3  }
0x97: {  	_ =	strace $0x8FFFFFFF  }
0x98: {  	s19 =	sld [smem:$0x3FDB];
	_ =	sdelay $0x1  }
0x99: {  	s4 =	simm.s32 $_scs_section_size  }
0x9a: {  	s5 =	simm.s32 $_size__tile_overlayer_lowered;
	s6 =	simm.s32 $_tile_overlayer_lowered  }
0x9b: {  	s22 =	simm.s32 $0x1BFF;
	s21 =	sshll.u32 s6, $0x1;
	s3 =	sadd.s32 s4, s19  }
0x9c: {  	s7 =	simm.s32 $0x0;
	s20 =	sshll.u32 s5, $0x1;
	s5 =	sadd.s32 s21, s3  }
0x9d: {  	[timem:s7], [sflag:s22] =	dma.local [hbm:s5], s20  }
0x9e: {  	_ =	swait.ge [sflag:s22], s20  }
0x9f: {  	s4 =	ssub.s32 $0x0, s20;
	[sflag:s22] =	ssyncset.done $0x0  }
0xa0: {  	[sflag:s22] =	ssyncadd.s32 s4;
	_ =	sdelay $0x1  }
0xa1: {  	s23 =	simm.s32 $0x1B8B  }
0xa2: {  	_ =	swait.ge [sflag:s23], $0x1  }
0xa3: {  	[sflag:s23] =	ssyncset.done $0x0  }
0xa4: {  	s25 =	simm.s32 $0x1B8E;
	s24 =	sld [smem:$0x3FFE];
	[sflag:s23] =	ssyncadd.s32 $0xFFFFFFFF  }
0xa5: {  	s26 =	simm.s32 $execute0_lowered;
	[smem:$0x3FD2] =	sst s25  }
0xa6: {  	s5 =	sshll.u32 s26, $0x1;
	_ =	strace $0x80000049;
	[dreg:$0x1] =	wrdreg $0xFFFFFFFF  }
0xa7: {  	s28 =	simm.s32 $_size_execute0_lowered;
	s3 =	sadd.s32 s3, s5;
	[dreg:$0x0] =	wrdreg $0x0  }
0xa8: {  	s5 =	sshll.u32 s28, $0x1;
	[dreg:$0x2] =	wrdreg s3  }
0xa9: {  	[dreg:$0x3] =	wrdreg s5  }
0xaa: {  	[dreg:$0x4] =	wrdreg $0xC0  }
0xab: {  	_ =	task [dreg:s7], $0x5FFFF  }
0xac: {  	[dreg:$0x1] =	wrdreg $0xFFFFFFFF  }
0xad: {  	[dreg:$0x0] =	wrdreg $0x60  }
0xae: {  	[dreg:$0x2] =	wrdreg s2  }
0xaf: {  	[dreg:$0x3] =	wrdreg s24  }
0xb0: {  	[dreg:$0x4] =	wrdreg $0xB9000  }
0xb1: {  	[dreg:$0x5] =	wrdreg $0x9  }
0xb2: {  	_ =	task.clear_ibuf [dreg:s7], $0x6FFFF;
	_ =	strace $0x90000049  }
0xb3: {  	s29 =	simm.s32 $0x9;
	_ =	strace $0x8000004B  }
0xb4: {  	_ =	swait.ge [sflag:s29], $0x1  }
0xb5: {  	[sflag:s29] =	ssyncadd.s32 $0xFFFFFFFF  }
0xb6: {  	_ =	strace $0x9000004B  }
0xb7: {  	_ =	sfence  }
0xb8: {  	s30 =	sld [smem:$0x0];
	_ =	sdelay $0x2  }
0xb9: {  	s31 =	sshll.u32 s1, $0xD;
	s1 =	sshrl.u32 s1, $0x2  }
0xba: {  	s3 =	sand.u32 $0x4000, s31;
	s1 =	sadd.s32 s1, s30  }
0xbb: {  	s0 =	sor.u32 s3, s0;
	s1 =	sshll.u32 s1, $0x11  }
0xbc: {  	s0 =	sor.u32 s1, s0  }
0xbd: {  	s0 =	sadd.s32 $0x8F2B, s0  }
0xbe: {  	[sflag:s0] =	ssyncadd.remote.s32 $0x1  }
0xbf: {  	_ =	sfence.sel $0xFFFF  }
0xc0: {  	[dreg:$0x0] =	wrdreg $0xFFFFFFFF;
	(pc) =	sbr.abs _section_cstart, $3  }
0xc1: {  	[dreg:$0x1] =	wrdreg $0xFFFFFFFF  }
0xc2: {  	_ =	task.clear_ibuf [dreg:s7], $0x2FFFF;
	_ =	strace $0x9FFFFFFF  }
0xc3: {  	(tm) =	ssettm $0x7FFFFFFF  }
tec
execute0_lowered:
.L_overlay_start_1:
0x0: {  	(tag) =	ssettag $0x1  }
0x1: {  	s2 =	rddreg [dreg:$0x0]  }
0x2: {  	s6 =	rddreg [dreg:$0x1]  }
0x3: {  	s0 =	srdreg.scid;
	s3 =	rddreg [dreg:$0x2]  }
0x4: {  	s4 =	simm.s32 $0x0;
	s5 =	sand.u32 $0x1, s0;
	s0 =	stileid.u32  }
0x5: {  	s24 =	simm.s32 $0xA500;
	s25 =	simm.s32 $0x1;
	s8 =	smul.u32 $0x278, s0  }
0x6: {  	s26 =	simm.s32 $0x50;
	s28 =	simm.s32 $0x7D00;
	s9 =	smul.u32 $0x2780, s5  }
0x7: {  	[smem:$0x7FF] =	sst s4;
	s1 =	sshll.u32 s5, $0x4;
	s10 =	smul.u32 $0x4F000, s0  }
0x8: {  	_ =	strace $0x8000004A;
	s29 =	ssub.s32 $0x2, s5;
	s1 =	sor.u32 s0, s1  }
0x9: {  	s31 =	sshrl.u32 s29, $0x1;
	s7 =	smul.u32 $0xFA0, s1;
	s8 =	sadd.s32 s8, s9  }
0xa: {  	s30 =	sshrl.u32 s10, $0x2;
	s9 =	ssub.s32 s29, s31;
	s8 =	sshll.u32 s8, $0x4  }
0xb: {  	s5 =	sadd.s32 s30, s3;
	s9 =	smax.u32 s9, $0x1;
	s7 =	sadd.s32 s7, s6  }
0xc: {  	s8 =	sadd.s32 s8, s6;
	s6 =	sadd.s32 $0x12C00, s5;
	s10 =	sadd.s32 $0x1400, s5  }
0xd: {  	s11 =	sadd.s32 $0x2800, s5;
	s12 =	sadd.s32 $0x3C00, s5;
	s13 =	sadd.s32 $0x5000, s5  }
0xe: {  	s14 =	sadd.s32 $0x6400, s5;
	s15 =	sadd.s32 $0x7800, s5;
	s16 =	sadd.s32 $0x8C00, s5  }
0xf: {  	s17 =	sadd.s32 $0xA000, s5;
	s18 =	sadd.s32 $0xB400, s5;
	s19 =	sadd.s32 $0xC800, s5  }
0x10: {  	s20 =	sadd.s32 $0xDC00, s5;
	s21 =	sadd.s32 $0xF000, s5;
	s22 =	sadd.s32 $0x10400, s5  }
0x11: {  	v0 =	vimm.f32 $0.0e+00;
	s23 =	sadd.s32 $0x11800, s5;
	s7 =	sadd.s32 $0xC600, s7;
	s8 =	sadd.s32 $0x2BA00, s8  }
.LBB2_1:
0x12: {  	s29 =	simm.s32 $0x70;
	s30 =	simm.s32 $0x3C0  }
.LBB2_2:
0x13: {  	p0 =	sne.s32 s30, $0x4FC0;
	[tilespmem:s29+$0xA500] =	vst v0  }
0x14: {  	[tilespmem:s29+$0xA490] =	vst v0  }
0x15: {  	[tilespmem:s29+$0xA4A0] =	vst v0  }
.Ltmp0:
0x16: {  	[tilespmem:s29+$0xA4B0] =	vst v0;
	(pc) =	sbr.rel @p0 .LBB2_2-.Ltmp0, $4  }
0x17: {  	[tilespmem:s29+$0xA4C0] =	vst v0  }
0x18: {  	[tilespmem:s29+$0xA4D0] =	vst v0  }
0x19: {  	[tilespmem:s29+$0xA4E0] =	vst v0  }
0x1a: {  	[tilespmem:s29+$0xA4F0] =	vst v0;
	s29 =	sshra.s32 s30, $0x2;
	s30 =	sadd.s32 $0x200, s30  }
0x1b: {  	[tilespmem:s29+$0xA500] =	vst v0  }
0x1c: {  	[tilespmem:s29+$0xA490] =	vst v0  }
0x1d: {  	[tilespmem:s29+$0xA4A0] =	vst v0  }
0x1e: {  	[tilespmem:s29+$0xA4B0] =	vst v0  }
0x1f: {  	[tilespmem:s29+$0xA4C0] =	vst v0  }
0x20: {  	[tilespmem:s29+$0xA4D0] =	vst v0  }
0x21: {  	[tilespmem:s29+$0xA4E0] =	vst v0  }
0x22: {  	[tilespmem:s29+$0xA4F0] =	vst v0  }
0x23: {  	[spmem:s5] =	stream.linear.scatter [tilespmem:s24], [sflag:$0x1], $0x1400, $0x38;
	[tilespmem:$0x1F500] =	vst v63  }
0x24: {  	_ =	swait.ge [sflag:s25], $0x1400  }
0x25: {  	[sflag:s25] =	ssyncset.done $0x0  }
0x26: {  	[sflag:s25] =	ssyncadd.s32 $0xFFFFEC00  }
0x27: {  	[spmem:s10] =	stream.linear.scatter [tilespmem:s24], [sflag:$0x1], $0x1400, $0x38;
	[tilespmem:$0x1F500] =	vst v63  }
0x28: {  	_ =	swait.ge [sflag:s25], $0x1400  }
0x29: {  	[sflag:s25] =	ssyncset.done $0x0  }
0x2a: {  	[sflag:s25] =	ssyncadd.s32 $0xFFFFEC00  }
0x2b: {  	[spmem:s11] =	stream.linear.scatter [tilespmem:s24], [sflag:$0x1], $0x1400, $0x38;
	[tilespmem:$0x1F500] =	vst v63  }
0x2c: {  	_ =	swait.ge [sflag:s25], $0x1400  }
0x2d: {  	[sflag:s25] =	ssyncset.done $0x0  }
0x2e: {  	[sflag:s25] =	ssyncadd.s32 $0xFFFFEC00  }
0x2f: {  	[spmem:s12] =	stream.linear.scatter [tilespmem:s24], [sflag:$0x1], $0x1400, $0x38;
	[tilespmem:$0x1F500] =	vst v63  }
0x30: {  	_ =	swait.ge [sflag:s25], $0x1400  }
0x31: {  	[sflag:s25] =	ssyncset.done $0x0  }
0x32: {  	[sflag:s25] =	ssyncadd.s32 $0xFFFFEC00  }
0x33: {  	[spmem:s13] =	stream.linear.scatter [tilespmem:s24], [sflag:$0x1], $0x1400, $0x38;
	[tilespmem:$0x1F500] =	vst v63  }
0x34: {  	_ =	swait.ge [sflag:s25], $0x1400  }
0x35: {  	[sflag:s25] =	ssyncset.done $0x0  }
0x36: {  	[sflag:s25] =	ssyncadd.s32 $0xFFFFEC00  }
0x37: {  	[spmem:s14] =	stream.linear.scatter [tilespmem:s24], [sflag:$0x1], $0x1400, $0x38;
	[tilespmem:$0x1F500] =	vst v63  }
0x38: {  	_ =	swait.ge [sflag:s25], $0x1400  }
0x39: {  	[sflag:s25] =	ssyncset.done $0x0  }
0x3a: {  	[sflag:s25] =	ssyncadd.s32 $0xFFFFEC00  }
0x3b: {  	[spmem:s15] =	stream.linear.scatter [tilespmem:s24], [sflag:$0x1], $0x1400, $0x38;
	[tilespmem:$0x1F500] =	vst v63  }
0x3c: {  	_ =	swait.ge [sflag:s25], $0x1400  }
0x3d: {  	[sflag:s25] =	ssyncset.done $0x0  }
0x3e: {  	[sflag:s25] =	ssyncadd.s32 $0xFFFFEC00  }
0x3f: {  	[spmem:s16] =	stream.linear.scatter [tilespmem:s24], [sflag:$0x1], $0x1400, $0x38;
	[tilespmem:$0x1F500] =	vst v63  }
0x40: {  	_ =	swait.ge [sflag:s25], $0x1400  }
0x41: {  	[sflag:s25] =	ssyncset.done $0x0  }
0x42: {  	[sflag:s25] =	ssyncadd.s32 $0xFFFFEC00  }
0x43: {  	[spmem:s17] =	stream.linear.scatter [tilespmem:s24], [sflag:$0x1], $0x1400, $0x38;
	[tilespmem:$0x1F500] =	vst v63  }
0x44: {  	_ =	swait.ge [sflag:s25], $0x1400  }
0x45: {  	[sflag:s25] =	ssyncset.done $0x0  }
0x46: {  	[sflag:s25] =	ssyncadd.s32 $0xFFFFEC00  }
0x47: {  	[spmem:s18] =	stream.linear.scatter [tilespmem:s24], [sflag:$0x1], $0x1400, $0x38;
	[tilespmem:$0x1F500] =	vst v63  }
0x48: {  	_ =	swait.ge [sflag:s25], $0x1400  }
0x49: {  	[sflag:s25] =	ssyncset.done $0x0  }
0x4a: {  	[sflag:s25] =	ssyncadd.s32 $0xFFFFEC00  }
0x4b: {  	[spmem:s19] =	stream.linear.scatter [tilespmem:s24], [sflag:$0x1], $0x1400, $0x38;
	[tilespmem:$0x1F500] =	vst v63  }
0x4c: {  	_ =	swait.ge [sflag:s25], $0x1400  }
0x4d: {  	[sflag:s25] =	ssyncset.done $0x0  }
0x4e: {  	[sflag:s25] =	ssyncadd.s32 $0xFFFFEC00  }
0x4f: {  	[spmem:s20] =	stream.linear.scatter [tilespmem:s24], [sflag:$0x1], $0x1400, $0x38;
	[tilespmem:$0x1F500] =	vst v63  }
0x50: {  	_ =	swait.ge [sflag:s25], $0x1400  }
0x51: {  	[sflag:s25] =	ssyncset.done $0x0  }
0x52: {  	[sflag:s25] =	ssyncadd.s32 $0xFFFFEC00  }
0x53: {  	[spmem:s21] =	stream.linear.scatter [tilespmem:s24], [sflag:$0x1], $0x1400, $0x38;
	[tilespmem:$0x1F500] =	vst v63  }
0x54: {  	_ =	swait.ge [sflag:s25], $0x1400  }
0x55: {  	[sflag:s25] =	ssyncset.done $0x0  }
0x56: {  	[sflag:s25] =	ssyncadd.s32 $0xFFFFEC00  }
0x57: {  	[spmem:s22] =	stream.linear.scatter [tilespmem:s24], [sflag:$0x1], $0x1400, $0x38;
	[tilespmem:$0x1F500] =	vst v63  }
0x58: {  	_ =	swait.ge [sflag:s25], $0x1400  }
0x59: {  	[sflag:s25] =	ssyncset.done $0x0  }
0x5a: {  	[sflag:s25] =	ssyncadd.s32 $0xFFFFEC00  }
0x5b: {  	[spmem:s23] =	stream.linear.scatter [tilespmem:s24], [sflag:$0x1], $0x1400, $0x38;
	[tilespmem:$0x1F500] =	vst v63  }
0x5c: {  	_ =	swait.ge [sflag:s25], $0x1400  }
0x5d: {  	[sflag:s25] =	ssyncset.done $0x0  }
0x5e: {  	[sflag:s25] =	ssyncadd.s32 $0xFFFFEC00  }
0x5f: {  	[spmem:s6] =	stream.linear.scatter [tilespmem:s24], [sflag:$0x1], $0x1000, $0x38;
	[tilespmem:$0x1F500] =	vst v63  }
0x60: {  	_ =	swait.ge [sflag:s25], $0x1000  }
0x61: {  	[sflag:s25] =	ssyncset.done $0x0  }
0x62: {  	s29 =	simm.s32 $0x0;
	[sflag:s25] =	ssyncadd.s32 $0xFFFFF000  }
0x63: {  	[tilespmem:s29], [sflag:$0x1] =	stream.linear.gather [hbm4b:s7+s29], $0x7D00, $0x38;
	[tilespmem:$0x1F500] =	vst v63  }
0x64: {  	_ =	swait.ge [sflag:s25], $0x7D00  }
0x65: {  	[sflag:s25] =	ssyncset.done $0x0  }
0x66: {  	[sflag:s25] =	ssyncadd.s32 $0xFFFF8300  }
0x67: {  	s29 =	simm.s32 $0x0;
	[bflag:$0x0] =	sbarrier.arrive $0xFFFF  }
0x68: {  	[tilespmem:s28], [sflag:$0x1] =	stream.indirect.gather [hbm4b:s2+s26], $0x80, s29, s26, $0xb8;
	[tilespmem:$0x1F500] =	vst v63  }
0x69: {  	_ =	swait.ge [sflag:s25], $0x2800  }
0x6a: {  	[sflag:s25] =	ssyncset.done $0x0  }
0x6b: {  	s29 =	simm.s32 $0x80;
	[sflag:s25] =	ssyncadd.s32 $0xFFFFD800  }
0x6c: {  	[spmem:s3] =	stream.indirect.scatter.add.f32 [tilespmem:s28], [sflag:$0x1], $0x80, s29, s26, $0xb8;
	[tilespmem:$0x1F500] =	vst v63  }
0x6d: {  	_ =	swait.ge [sflag:s25], $0x2800  }
0x6e: {  	s30 =	simm.s32 $0x800;
	s29 =	simm.s32 $0x400;
	[sflag:s25] =	ssyncset.done $0x0  }
.LBB2_4:
0x6f: {  	s31 =	sshra.s32 s29, $0x2  }
0x70: {  	[sflag:s25] =	ssyncadd.s32 $0xFFFFD800;
	s29 =	smov.u32 s30;
	s1 =	sadd.s32 $0x400, s30  }
0x71: {  	[tilespmem:s28], [sflag:$0x1] =	stream.indirect.gather [hbm4b:s2+s26], $0x80, s31, s26, $0xb8;
	[tilespmem:$0x1F500] =	vst v63  }
0x72: {  	p0 =	sne.s32 s30, $0x1F000;
	_ =	swait.ge [sflag:s25], $0x2800  }
.Ltmp1:
0x73: {  	[sflag:s25] =	ssyncset.done $0x0;
	(pc) =	sbr.rel @p0 .LBB2_4-.Ltmp1, $4  }
0x74: {  	s30 =	sadd.s32 $0x80, s31;
	[sflag:s25] =	ssyncadd.s32 $0xFFFFD800  }
0x75: {  	[spmem:s3] =	stream.indirect.scatter.add.f32 [tilespmem:s28], [sflag:$0x1], $0x80, s30, s26, $0xb8;
	[tilespmem:$0x1F500] =	vst v63  }
0x76: {  	_ =	swait.ge [sflag:s25], $0x2800  }
0x77: {  	s30 =	smov.u32 s1;
	[sflag:s25] =	ssyncset.done $0x0  }
0x78: {  	s1 =	sshra.s32 s29, $0x2;
	[sflag:s25] =	ssyncadd.s32 $0xFFFFD800  }
0x79: {  	[tilespmem:s28], [sflag:$0x1] =	stream.indirect.gather [hbm4b:s2+s26], $0x80, s1, s26, $0xb8;
	[tilespmem:$0x1F500] =	vst v63  }
0x7a: {  	_ =	swait.ge [sflag:s25], $0x2800  }
0x7b: {  	[sflag:s25] =	ssyncset.done $0x0  }
0x7c: {  	s1 =	sadd.s32 $0x80, s1;
	[sflag:s25] =	ssyncadd.s32 $0xFFFFD800  }
0x7d: {  	[spmem:s3] =	stream.indirect.scatter.add.f32 [tilespmem:s28], [sflag:$0x1], $0x80, s1, s26, $0xb8;
	[tilespmem:$0x1F500] =	vst v63  }
0x7e: {  	_ =	swait.ge [sflag:s25], $0x2800  }
0x7f: {  	s30 =	sshll.u32 s0, $0x6;
	s4 =	sadd.s32 $0x1, s4;
	[sflag:s25] =	ssyncset.done $0x0  }
0x80: {  	s31 =	sshrl.u32 s5, $0x3;
	p0 =	sne.s32 s4, s9;
	[sflag:s25] =	ssyncadd.s32 $0xFFFFD800  }
.Ltmp2:
0x81: {  	s1 =	sor.u32 $0x1C01, s30;
	[bflag:$0x0] =	sbarrier.arrive $0xFFFF;
	(pc) =	sbr.rel @p0 .LBB2_1-.Ltmp2, $4  }
0x82: {  	[hbm:s8], [sflag:s1] =	dma.local [spmem:s31], $0x2780  }
0x83: {  	_ =	swait.ge [sflag:s25], $0x2780  }
0x84: {  	[sflag:s25] =	ssyncset.done $0x0  }
0x85: {  	[sflag:s25] =	ssyncadd.s32 $0xFFFFD880  }
0x86: {  	_ =	sfence.sel $0x180000  }
0x87: {  	[bflag:$0x0] =	sbarrier.arrive $0xFFFF  }
0x88: {  	_ =	strace $0x9000004A  }
0x89: {  	[bflag:$0x2] =	sbarrier.arrive $0xFFFF  }
0x8a: {  	p0 =	sne.s32 s0, $0x0;
	s0 =	rddreg [dreg:$0x3]  }
0x8b: {  	s0 =	sadd.s32 @!p0 $0x100000, s0  }
0x8c: {  	[sflag:s0] =	ssyncadd.tile.s32 @!p0 $0x1;
	_ =	shalt  }
.Lfunc_end2:
_tile_overlayer_lowered:
.L_overlay_start_2:
0x8d: {  	(tag) =	ssettag $0x2  }
0x8e: {  	s0 =	rddreg [dreg:$0x0];
	s2 =	stileid.u32  }
0x8f: {  	s1 =	rddreg [dreg:$0x1];
	p0 =	sne.s32 s2, $0x0  }
0x90: {  	s3 =	rddreg [dreg:$0x2];
	[bflag:$0x3] =	sbarrier.arrive $0xFFFF;
	s2 =	simm.s32 @!p0 $0x1C01  }
0x91: {  	[timem:s3], [sflag:s2] =	dma.local @!p0 [hbm:s0], s1  }
0x92: {  	s0 =	simm.s32 @!p0 $0x1  }
0x93: {  	_ =	swait.ge @!p0 [sflag:s0], s1  }
0x94: {  	s1 =	ssub.s32 @!p0 $0x0, s1;
	[sflag:s0] =	ssyncset.done @!p0 $0x0  }
0x95: {  	[sflag:s0] =	ssyncadd.s32 @!p0 s1  }
0x96: {  	[bflag:$0x3] =	sbarrier.arrive $0xFFFF  }
0x97: {  	_ =	shalt  }

// kernel: kernel.15.cloned.1.call-start
scs
__scs_entry_jumppad:
0x0: {  	(pc) =	sbr.rel $0x88, $3  }
0x1: {  	(tag) =	ssettag $0x0;
	lr =	simm.s32 $0x1  }
0x2: {  	[smem:$0x3F9B] =	sst lr;
	_ =	strace $0xD0000000  }
0x3: {  	_ = 	snop  }
0x4: {  	_ = 	snop  }
0x5: {  	_ = 	snop  }
0x6: {  	_ = 	snop  }
0x7: {  	_ = 	snop  }
__scs_overlays_trampoline_lowered:
0x8: {  	[smem:$0x3FAA] =	sst s0  }
0x9: {  	[smem:$0x3FAB] =	sst s1  }
0xa: {  	[smem:$0x3FAC] =	sst s2  }
0xb: {  	[smem:$0x3FAD] =	sst s3  }
0xc: {  	[smem:$0x3FAE] =	sst s4  }
0xd: {  	[smem:$0x3FAF] =	sst s5  }
0xe: {  	[smem:$0x3FB0] =	sst s6  }
0xf: {  	[smem:$0x3FB1] =	sst s7  }
0x10: {  	[smem:$0x3FB2] =	sst s8  }
0x11: {  	[smem:$0x3FB3] =	sst s9;
	s0 =	simm.s32 @!p0 $0x0  }
0x12: {  	s1 =	sld [smem:$0x3F99];
	s0 =	simm.s32 @p0 $0x1  }
0x13: {  	[smem:$0x3FB4] =	sst s0;
	s0 =	simm.s32 @!p1 $0x0  }
0x14: {  	s2 =	sld [smem:$0x3F98];
	s0 =	simm.s32 @p1 $0x1  }
0x15: {  	[smem:$0x3FB5] =	sst s0;
	s0 =	simm.s32 @!p2 $0x0  }
0x16: {  	s3 =	sld [smem:$0x3FDB];
	s0 =	simm.s32 @p2 $0x1  }
0x17: {  	s4 =	simm.s32 $0x1BF5;
	[smem:$0x3FB7] =	sst s0  }
0x18: {  	s0 =	sld [smem:$0x3F9A];
	_ =	swait.ge [sflag:s4], $0x0  }
0x19: {  	s7 =	sld [smem:$0x3F9B]  }
0x1a: {  	s8 =	sadd.s32 $0xFFFFE003, lr  }
0x1b: {  	s9 =	sadd.s32 $0xFFFFFEF7, lr;
	s5 =	simm.s32 $0xFFFFFFFF;
	p2 =	slt.u32 s8, $0xFFFFF086  }
0x1c: {  	p1 =	slt.u32 s9, $0xF7A;
	s5 =	simm.s32 @!p2 $0x0  }
0x1d: {  	s5 =	simm.s32 @p1 $0x1;
	p0 =	seq.s32 s7, s2  }
0x1e: {  	s7 =	smul.u32 @!p0 $0xF7A, s2;
	p2 =	seq.s32 @!p0 s5, $0x0  }
0x1f: {  	s9 =	smul.u32 $0xF7A, s1;
	s8 =	simm.s32 @!p0 $0x1BF5;
	p2 =	por !p2, p0  }
0x20: {  	[sflag:s8] =	ssyncset.s32 @!p0 $0xFFFFF086;
	s6 =	sadd.s32 @!p0 s3, s7;
	s7 =	simm.s32 @!p0 $0x108  }
0x21: {  	s3 =	sadd.s32 s3, s9;
	s6 =	sadd.s32 @!p0 $0x88, s6;
	s7 =	simm.s32 @p2 $0x1082  }
0x22: {  	[simem:s7], [sflag:s8] =	dma.local @!p0 [hbm:s6], $0xF7A  }
0x23: {  	s9 =	sor.u32 $0xD0000000, s2;
	s6 =	simm.s32 $0x108;
	_ =	swait.ge @!p0 [sflag:s8], $0x0  }
0x24: {  	s3 =	sadd.s32 $0x88, s3;
	s6 =	simm.s32 @!p1 $0x1082;
	[sflag:s4] =	ssyncset.s32 $0xFFFFF086  }
0x25: {  	[simem:s6], [sflag:s4] =	dma.local [hbm:s3], $0xF7A  }
0x26: {  	[smem:$0x3F9B] =	sst s1;
	(tag) =	ssettag s2;
	_ =	strace s9  }
0x27: {  	s1 =	sld [smem:$0x3FAB]  }
0x28: {  	s2 =	sld [smem:$0x3FAC]  }
0x29: {  	s4 =	sld [smem:$0x3FAE]  }
0x2a: {  	p0 =	seq.s32 s5, $0x0;
	s5 =	sld [smem:$0x3FAF]  }
0x2b: {  	s6 =	sld [smem:$0x3FB0]  }
0x2c: {  	s7 =	sld [smem:$0x3FB1]  }
0x2d: {  	s3 =	simm.s32 $0x108;
	s8 =	sld [smem:$0x3FB2]  }
0x2e: {  	s3 =	simm.s32 @!p0 $0x1082;
	s9 =	sld [smem:$0x3FB3]  }
0x2f: {  	lr =	sadd.s32 s0, s3;
	s0 =	sld [smem:$0x3FAA]  }
0x30: {  	s3 =	sld [smem:$0x3FAD]  }
0x31: {  	[smem:$0x3FB6] =	sst s10  }
0x32: {  	s10 =	sld [smem:$0x3FB4];
	_ =	sdelay $0x3  }
0x33: {  	p0 =	seq.s32 s10, $0x1;
	s10 =	sld [smem:$0x3FB6];
	_ =	sdelay $0x3  }
0x34: {  	[smem:$0x3FB6] =	sst s10  }
0x35: {  	s10 =	sld [smem:$0x3FB5];
	_ =	sdelay $0x3  }
0x36: {  	p1 =	seq.s32 s10, $0x1;
	s10 =	sld [smem:$0x3FB6];
	_ =	sdelay $0x3  }
0x37: {  	[smem:$0x3FB6] =	sst s10  }
0x38: {  	s10 =	sld [smem:$0x3FB7]  }
0x39: {  	_ = 	snop;
	(pc) =	sbr.ind lr, $3  }
0x3a: {  	_ = 	snop  }
0x3b: {  	_ = 	snop  }
0x3c: {  	p2 =	seq.s32 s10, $0x1;
	s10 =	sld [smem:$0x3FB6]  }
0x3d: {  	_ =	shalt  }
0x3e: {  	_ =	shalt  }
0x3f: {  	_ =	shalt  }
0x40: {  	_ =	shalt  }
0x41: {  	_ =	shalt  }
0x42: {  	_ =	shalt  }
0x43: {  	_ =	shalt  }
0x44: {  	_ =	shalt  }
0x45: {  	_ =	shalt  }
0x46: {  	_ =	shalt  }
0x47: {  	_ =	shalt  }
0x48: {  	_ =	shalt  }
0x49: {  	_ =	shalt  }
0x4a: {  	_ =	shalt  }
0x4b: {  	_ =	shalt  }
0x4c: {  	_ =	shalt  }
0x4d: {  	_ =	shalt  }
0x4e: {  	_ =	shalt  }
0x4f: {  	_ =	shalt  }
0x50: {  	_ =	shalt  }
0x51: {  	_ =	shalt  }
0x52: {  	_ =	shalt  }
0x53: {  	_ =	shalt  }
0x54: {  	_ =	shalt  }
0x55: {  	_ =	shalt  }
0x56: {  	_ =	shalt  }
0x57: {  	_ =	shalt  }
0x58: {  	_ =	shalt  }
0x59: {  	_ =	shalt  }
0x5a: {  	_ =	shalt  }
0x5b: {  	_ =	shalt  }
0x5c: {  	_ =	shalt  }
0x5d: {  	_ =	shalt  }
0x5e: {  	_ =	shalt  }
0x5f: {  	_ =	shalt  }
0x60: {  	_ =	shalt  }
0x61: {  	_ =	shalt  }
0x62: {  	_ =	shalt  }
0x63: {  	_ =	shalt  }
0x64: {  	_ =	shalt  }
0x65: {  	_ =	shalt  }
0x66: {  	_ =	shalt  }
0x67: {  	_ =	shalt  }
0x68: {  	_ =	shalt  }
0x69: {  	_ =	shalt  }
0x6a: {  	_ =	shalt  }
0x6b: {  	_ =	shalt  }
0x6c: {  	_ =	shalt  }
0x6d: {  	_ =	shalt  }
0x6e: {  	_ =	shalt  }
0x6f: {  	_ =	shalt  }
0x70: {  	_ =	shalt  }
0x71: {  	_ =	shalt  }
0x72: {  	_ =	shalt  }
0x73: {  	_ =	shalt  }
0x74: {  	_ =	shalt  }
0x75: {  	_ =	shalt  }
0x76: {  	_ =	shalt  }
0x77: {  	_ =	shalt  }
0x78: {  	_ =	shalt  }
0x79: {  	_ =	shalt  }
0x7a: {  	_ =	shalt  }
0x7b: {  	_ =	shalt  }
0x7c: {  	_ =	shalt  }
0x7d: {  	_ =	shalt  }
0x7e: {  	_ =	shalt  }
0x7f: {  	_ =	shalt  }
0x80: {  	_ =	shalt  }
0x81: {  	_ =	shalt  }
0x82: {  	_ =	shalt  }
0x83: {  	_ =	shalt  }
0x84: {  	_ =	shalt  }
0x85: {  	_ =	shalt  }
0x86: {  	_ =	shalt  }
0x87: {  	_ =	shalt  }
.Lfunc_end0:
.L_simem_size_0:
called_computation.2_lowered:
.L_overlay_start_0:
0x88: {  	s2 =	sld [smem:$0x3FD9]  }
0x89: {  	s3 =	sld [smem:$0x3FFE];
	_ =	sdelay $0x1  }
0x8a: {  	s1 =	srdreg.scid  }
0x8b: {  	s0 =	sand.u32 $0x1, s1  }
0x8c: {  	s17 =	sshll.u32 s0, $0xA;
	s2 =	sadd.s32 s3, s2  }
0x8d: {  	s2 =	sadd.s32 s2, s17  }
0x8e: {  	[smem:$0x3FC2] =	sst s2  }
0x8f: {  	_ = 	snop  }
0x90: {  	s2 =	sld [smem:$0x3FD0];
	(tm) =	ssettm $0x1  }
0x91: {  	s18 =	sld [smem:$0x3FFB];
	_ =	sdelay $0x3  }
0x92: {  	_ =	strace s18  }
0x93: {  	s3 =	sld [smem:$0x3FFC];
	_ =	sdelay $0x3  }
0x94: {  	_ =	strace s3  }
0x95: {  	s3 =	sld [smem:$0x3FFD];
	_ =	sdelay $0x3  }
0x96: {  	_ =	strace s3  }
0x97: {  	_ =	strace $0x8FFFFFFF  }
0x98: {  	s19 =	sld [smem:$0x3FDB];
	_ =	sdelay $0x1  }
0x99: {  	s4 =	simm.s32 $_scs_section_size  }
0x9a: {  	s5 =	simm.s32 $_size__tile_overlayer_lowered;
	s6 =	simm.s32 $_tile_overlayer_lowered  }
0x9b: {  	s22 =	simm.s32 $0x1BFF;
	s21 =	sshll.u32 s6, $0x1;
	s3 =	sadd.s32 s4, s19  }
0x9c: {  	s7 =	simm.s32 $0x0;
	s20 =	sshll.u32 s5, $0x1;
	s5 =	sadd.s32 s21, s3  }
0x9d: {  	[timem:s7], [sflag:s22] =	dma.local [hbm:s5], s20  }
0x9e: {  	_ =	swait.ge [sflag:s22], s20  }
0x9f: {  	s4 =	ssub.s32 $0x0, s20;
	[sflag:s22] =	ssyncset.done $0x0  }
0xa0: {  	[sflag:s22] =	ssyncadd.s32 s4;
	_ =	sdelay $0x1  }
0xa1: {  	s23 =	simm.s32 $0x1B8B  }
0xa2: {  	_ =	swait.ge [sflag:s23], $0x1  }
0xa3: {  	[sflag:s23] =	ssyncset.done $0x0  }
0xa4: {  	s25 =	simm.s32 $0x1B8E;
	s24 =	sld [smem:$0x3FFE];
	[sflag:s23] =	ssyncadd.s32 $0xFFFFFFFF  }
0xa5: {  	s26 =	simm.s32 $execute0_lowered;
	[smem:$0x3FD2] =	sst s25  }
0xa6: {  	s5 =	sshll.u32 s26, $0x1;
	_ =	strace $0x8000004C;
	[dreg:$0x1] =	wrdreg $0xFFFFFFFF  }
0xa7: {  	s28 =	simm.s32 $_size_execute0_lowered;
	s3 =	sadd.s32 s3, s5;
	[dreg:$0x0] =	wrdreg $0x0  }
0xa8: {  	s5 =	sshll.u32 s28, $0x1;
	[dreg:$0x2] =	wrdreg s3  }
0xa9: {  	[dreg:$0x3] =	wrdreg s5  }
0xaa: {  	[dreg:$0x4] =	wrdreg $0xC0  }
0xab: {  	_ =	task [dreg:s7], $0x5FFFF  }
0xac: {  	[dreg:$0x1] =	wrdreg $0xFFFFFFFF  }
0xad: {  	[dreg:$0x0] =	wrdreg $0x60  }
0xae: {  	[dreg:$0x2] =	wrdreg s2  }
0xaf: {  	[dreg:$0x3] =	wrdreg s24  }
0xb0: {  	[dreg:$0x4] =	wrdreg $0xB9000  }
0xb1: {  	[dreg:$0x5] =	wrdreg $0x9  }
0xb2: {  	_ =	task.clear_ibuf [dreg:s7], $0x6FFFF;
	_ =	strace $0x9000004C  }
0xb3: {  	s29 =	simm.s32 $0x9;
	_ =	strace $0x8000004E  }
0xb4: {  	_ =	swait.ge [sflag:s29], $0x1  }
0xb5: {  	[sflag:s29] =	ssyncadd.s32 $0xFFFFFFFF  }
0xb6: {  	_ =	strace $0x9000004E  }
0xb7: {  	_ =	sfence  }
0xb8: {  	s30 =	sld [smem:$0x0];
	_ =	sdelay $0x2  }
0xb9: {  	s31 =	sshll.u32 s1, $0xD;
	s1 =	sshrl.u32 s1, $0x2  }
0xba: {  	s3 =	sand.u32 $0x4000, s31;
	s1 =	sadd.s32 s1, s30  }
0xbb: {  	s0 =	sor.u32 s3, s0;
	s1 =	sshll.u32 s1, $0x11  }
0xbc: {  	s0 =	sor.u32 s1, s0  }
0xbd: {  	s0 =	sadd.s32 $0x8F2B, s0  }
0xbe: {  	[sflag:s0] =	ssyncadd.remote.s32 $0x1  }
0xbf: {  	_ =	sfence.sel $0xFFFF  }
0xc0: {  	[dreg:$0x0] =	wrdreg $0xFFFFFFFF;
	(pc) =	sbr.abs _section_cstart, $3  }
0xc1: {  	[dreg:$0x1] =	wrdreg $0xFFFFFFFF  }
0xc2: {  	_ =	task.clear_ibuf [dreg:s7], $0x2FFFF;
	_ =	strace $0x9FFFFFFF  }
0xc3: {  	(tm) =	ssettm $0x7FFFFFFF  }
tec
execute0_lowered:
.L_overlay_start_1:
0x0: {  	(tag) =	ssettag $0x1  }
0x1: {  	s2 =	rddreg [dreg:$0x0]  }
0x2: {  	s6 =	rddreg [dreg:$0x1]  }
0x3: {  	s0 =	srdreg.scid;
	s3 =	rddreg [dreg:$0x2]  }
0x4: {  	s4 =	simm.s32 $0x0;
	s5 =	sand.u32 $0x1, s0;
	s0 =	stileid.u32  }
0x5: {  	s24 =	simm.s32 $0xA500;
	s25 =	simm.s32 $0x1;
	s8 =	smul.u32 $0x278, s0  }
0x6: {  	s26 =	simm.s32 $0x50;
	s28 =	simm.s32 $0x7D00;
	s9 =	smul.u32 $0x2780, s5  }
0x7: {  	[smem:$0x7FF] =	sst s4;
	s1 =	sshll.u32 s5, $0x4;
	s10 =	smul.u32 $0x4F000, s0  }
0x8: {  	_ =	strace $0x8000004D;
	s29 =	ssub.s32 $0x2, s5;
	s1 =	sor.u32 s0, s1  }
0x9: {  	s31 =	sshrl.u32 s29, $0x1;
	s7 =	smul.u32 $0xFA0, s1;
	s8 =	sadd.s32 s8, s9  }
0xa: {  	s30 =	sshrl.u32 s10, $0x2;
	s9 =	ssub.s32 s29, s31;
	s8 =	sshll.u32 s8, $0x4  }
0xb: {  	s5 =	sadd.s32 s30, s3;
	s9 =	smax.u32 s9, $0x1;
	s7 =	sadd.s32 s7, s6  }
0xc: {  	s8 =	sadd.s32 s8, s6;
	s6 =	sadd.s32 $0x12C00, s5;
	s10 =	sadd.s32 $0x1400, s5  }
0xd: {  	s11 =	sadd.s32 $0x2800, s5;
	s12 =	sadd.s32 $0x3C00, s5;
	s13 =	sadd.s32 $0x5000, s5  }
0xe: {  	s14 =	sadd.s32 $0x6400, s5;
	s15 =	sadd.s32 $0x7800, s5;
	s16 =	sadd.s32 $0x8C00, s5  }
0xf: {  	s17 =	sadd.s32 $0xA000, s5;
	s18 =	sadd.s32 $0xB400, s5;
	s19 =	sadd.s32 $0xC800, s5  }
0x10: {  	s20 =	sadd.s32 $0xDC00, s5;
	s21 =	sadd.s32 $0xF000, s5;
	s22 =	sadd.s32 $0x10400, s5  }
0x11: {  	v0 =	vimm.f32 $0.0e+00;
	s23 =	sadd.s32 $0x11800, s5;
	s7 =	sadd.s32 $0xC600, s7;
	s8 =	sadd.s32 $0x2BA00, s8  }
.LBB2_1:
0x12: {  	s29 =	simm.s32 $0x70;
	s30 =	simm.s32 $0x3C0  }
.LBB2_2:
0x13: {  	p0 =	sne.s32 s30, $0x4FC0;
	[tilespmem:s29+$0xA500] =	vst v0  }
0x14: {  	[tilespmem:s29+$0xA490] =	vst v0  }
0x15: {  	[tilespmem:s29+$0xA4A0] =	vst v0  }
.Ltmp0:
0x16: {  	[tilespmem:s29+$0xA4B0] =	vst v0;
	(pc) =	sbr.rel @p0 .LBB2_2-.Ltmp0, $4  }
0x17: {  	[tilespmem:s29+$0xA4C0] =	vst v0  }
0x18: {  	[tilespmem:s29+$0xA4D0] =	vst v0  }
0x19: {  	[tilespmem:s29+$0xA4E0] =	vst v0  }
0x1a: {  	[tilespmem:s29+$0xA4F0] =	vst v0;
	s29 =	sshra.s32 s30, $0x2;
	s30 =	sadd.s32 $0x200, s30  }
0x1b: {  	[tilespmem:s29+$0xA500] =	vst v0  }
0x1c: {  	[tilespmem:s29+$0xA490] =	vst v0  }
0x1d: {  	[tilespmem:s29+$0xA4A0] =	vst v0  }
0x1e: {  	[tilespmem:s29+$0xA4B0] =	vst v0  }
0x1f: {  	[tilespmem:s29+$0xA4C0] =	vst v0  }
0x20: {  	[tilespmem:s29+$0xA4D0] =	vst v0  }
0x21: {  	[tilespmem:s29+$0xA4E0] =	vst v0  }
0x22: {  	[tilespmem:s29+$0xA4F0] =	vst v0  }
0x23: {  	[spmem:s5] =	stream.linear.scatter [tilespmem:s24], [sflag:$0x1], $0x1400, $0x38;
	[tilespmem:$0x1F500] =	vst v63  }
0x24: {  	_ =	swait.ge [sflag:s25], $0x1400  }
0x25: {  	[sflag:s25] =	ssyncset.done $0x0  }
0x26: {  	[sflag:s25] =	ssyncadd.s32 $0xFFFFEC00  }
0x27: {  	[spmem:s10] =	stream.linear.scatter [tilespmem:s24], [sflag:$0x1], $0x1400, $0x38;
	[tilespmem:$0x1F500] =	vst v63  }
0x28: {  	_ =	swait.ge [sflag:s25], $0x1400  }
0x29: {  	[sflag:s25] =	ssyncset.done $0x0  }
0x2a: {  	[sflag:s25] =	ssyncadd.s32 $0xFFFFEC00  }
0x2b: {  	[spmem:s11] =	stream.linear.scatter [tilespmem:s24], [sflag:$0x1], $0x1400, $0x38;
	[tilespmem:$0x1F500] =	vst v63  }
0x2c: {  	_ =	swait.ge [sflag:s25], $0x1400  }
0x2d: {  	[sflag:s25] =	ssyncset.done $0x0  }
0x2e: {  	[sflag:s25] =	ssyncadd.s32 $0xFFFFEC00  }
0x2f: {  	[spmem:s12] =	stream.linear.scatter [tilespmem:s24], [sflag:$0x1], $0x1400, $0x38;
	[tilespmem:$0x1F500] =	vst v63  }
0x30: {  	_ =	swait.ge [sflag:s25], $0x1400  }
0x31: {  	[sflag:s25] =	ssyncset.done $0x0  }
0x32: {  	[sflag:s25] =	ssyncadd.s32 $0xFFFFEC00  }
0x33: {  	[spmem:s13] =	stream.linear.scatter [tilespmem:s24], [sflag:$0x1], $0x1400, $0x38;
	[tilespmem:$0x1F500] =	vst v63  }
0x34: {  	_ =	swait.ge [sflag:s25], $0x1400  }
0x35: {  	[sflag:s25] =	ssyncset.done $0x0  }
0x36: {  	[sflag:s25] =	ssyncadd.s32 $0xFFFFEC00  }
0x37: {  	[spmem:s14] =	stream.linear.scatter [tilespmem:s24], [sflag:$0x1], $0x1400, $0x38;
	[tilespmem:$0x1F500] =	vst v63  }
0x38: {  	_ =	swait.ge [sflag:s25], $0x1400  }
0x39: {  	[sflag:s25] =	ssyncset.done $0x0  }
0x3a: {  	[sflag:s25] =	ssyncadd.s32 $0xFFFFEC00  }
0x3b: {  	[spmem:s15] =	stream.linear.scatter [tilespmem:s24], [sflag:$0x1], $0x1400, $0x38;
	[tilespmem:$0x1F500] =	vst v63  }
0x3c: {  	_ =	swait.ge [sflag:s25], $0x1400  }
0x3d: {  	[sflag:s25] =	ssyncset.done $0x0  }
0x3e: {  	[sflag:s25] =	ssyncadd.s32 $0xFFFFEC00  }
0x3f: {  	[spmem:s16] =	stream.linear.scatter [tilespmem:s24], [sflag:$0x1], $0x1400, $0x38;
	[tilespmem:$0x1F500] =	vst v63  }
0x40: {  	_ =	swait.ge [sflag:s25], $0x1400  }
0x41: {  	[sflag:s25] =	ssyncset.done $0x0  }
0x42: {  	[sflag:s25] =	ssyncadd.s32 $0xFFFFEC00  }
0x43: {  	[spmem:s17] =	stream.linear.scatter [tilespmem:s24], [sflag:$0x1], $0x1400, $0x38;
	[tilespmem:$0x1F500] =	vst v63  }
0x44: {  	_ =	swait.ge [sflag:s25], $0x1400  }
0x45: {  	[sflag:s25] =	ssyncset.done $0x0  }
0x46: {  	[sflag:s25] =	ssyncadd.s32 $0xFFFFEC00  }
0x47: {  	[spmem:s18] =	stream.linear.scatter [tilespmem:s24], [sflag:$0x1], $0x1400, $0x38;
	[tilespmem:$0x1F500] =	vst v63  }
0x48: {  	_ =	swait.ge [sflag:s25], $0x1400  }
0x49: {  	[sflag:s25] =	ssyncset.done $0x0  }
0x4a: {  	[sflag:s25] =	ssyncadd.s32 $0xFFFFEC00  }
0x4b: {  	[spmem:s19] =	stream.linear.scatter [tilespmem:s24], [sflag:$0x1], $0x1400, $0x38;
	[tilespmem:$0x1F500] =	vst v63  }
0x4c: {  	_ =	swait.ge [sflag:s25], $0x1400  }
0x4d: {  	[sflag:s25] =	ssyncset.done $0x0  }
0x4e: {  	[sflag:s25] =	ssyncadd.s32 $0xFFFFEC00  }
0x4f: {  	[spmem:s20] =	stream.linear.scatter [tilespmem:s24], [sflag:$0x1], $0x1400, $0x38;
	[tilespmem:$0x1F500] =	vst v63  }
0x50: {  	_ =	swait.ge [sflag:s25], $0x1400  }
0x51: {  	[sflag:s25] =	ssyncset.done $0x0  }
0x52: {  	[sflag:s25] =	ssyncadd.s32 $0xFFFFEC00  }
0x53: {  	[spmem:s21] =	stream.linear.scatter [tilespmem:s24], [sflag:$0x1], $0x1400, $0x38;
	[tilespmem:$0x1F500] =	vst v63  }
0x54: {  	_ =	swait.ge [sflag:s25], $0x1400  }
0x55: {  	[sflag:s25] =	ssyncset.done $0x0  }
0x56: {  	[sflag:s25] =	ssyncadd.s32 $0xFFFFEC00  }
0x57: {  	[spmem:s22] =	stream.linear.scatter [tilespmem:s24], [sflag:$0x1], $0x1400, $0x38;
	[tilespmem:$0x1F500] =	vst v63  }
0x58: {  	_ =	swait.ge [sflag:s25], $0x1400  }
0x59: {  	[sflag:s25] =	ssyncset.done $0x0  }
0x5a: {  	[sflag:s25] =	ssyncadd.s32 $0xFFFFEC00  }
0x5b: {  	[spmem:s23] =	stream.linear.scatter [tilespmem:s24], [sflag:$0x1], $0x1400, $0x38;
	[tilespmem:$0x1F500] =	vst v63  }
0x5c: {  	_ =	swait.ge [sflag:s25], $0x1400  }
0x5d: {  	[sflag:s25] =	ssyncset.done $0x0  }
0x5e: {  	[sflag:s25] =	ssyncadd.s32 $0xFFFFEC00  }
0x5f: {  	[spmem:s6] =	stream.linear.scatter [tilespmem:s24], [sflag:$0x1], $0x1000, $0x38;
	[tilespmem:$0x1F500] =	vst v63  }
0x60: {  	_ =	swait.ge [sflag:s25], $0x1000  }
0x61: {  	[sflag:s25] =	ssyncset.done $0x0  }
0x62: {  	s29 =	simm.s32 $0x0;
	[sflag:s25] =	ssyncadd.s32 $0xFFFFF000  }
0x63: {  	[tilespmem:s29], [sflag:$0x1] =	stream.linear.gather [hbm4b:s7+s29], $0x7D00, $0x38;
	[tilespmem:$0x1F500] =	vst v63  }
0x64: {  	_ =	swait.ge [sflag:s25], $0x7D00  }
0x65: {  	[sflag:s25] =	ssyncset.done $0x0  }
0x66: {  	[sflag:s25] =	ssyncadd.s32 $0xFFFF8300  }
0x67: {  	s29 =	simm.s32 $0x0;
	[bflag:$0x0] =	sbarrier.arrive $0xFFFF  }
0x68: {  	[tilespmem:s28], [sflag:$0x1] =	stream.indirect.gather [hbm4b:s2+s26], $0x80, s29, s26, $0xb8;
	[tilespmem:$0x1F500] =	vst v63  }
0x69: {  	_ =	swait.ge [sflag:s25], $0x2800  }
0x6a: {  	[sflag:s25] =	ssyncset.done $0x0  }
0x6b: {  	s29 =	simm.s32 $0x80;
	[sflag:s25] =	ssyncadd.s32 $0xFFFFD800  }
0x6c: {  	[spmem:s3] =	stream.indirect.scatter.add.f32 [tilespmem:s28], [sflag:$0x1], $0x80, s29, s26, $0xb8;
	[tilespmem:$0x1F500] =	vst v63  }
0x6d: {  	_ =	swait.ge [sflag:s25], $0x2800  }
0x6e: {  	s30 =	simm.s32 $0x800;
	s29 =	simm.s32 $0x400;
	[sflag:s25] =	ssyncset.done $0x0  }
.LBB2_4:
0x6f: {  	s31 =	sshra.s32 s29, $0x2  }
0x70: {  	[sflag:s25] =	ssyncadd.s32 $0xFFFFD800;
	s29 =	smov.u32 s30;
	s1 =	sadd.s32 $0x400, s30  }
0x71: {  	[tilespmem:s28], [sflag:$0x1] =	stream.indirect.gather [hbm4b:s2+s26], $0x80, s31, s26, $0xb8;
	[tilespmem:$0x1F500] =	vst v63  }
0x72: {  	p0 =	sne.s32 s30, $0x1F000;
	_ =	swait.ge [sflag:s25], $0x2800  }
.Ltmp1:
0x73: {  	[sflag:s25] =	ssyncset.done $0x0;
	(pc) =	sbr.rel @p0 .LBB2_4-.Ltmp1, $4  }
0x74: {  	s30 =	sadd.s32 $0x80, s31;
	[sflag:s25] =	ssyncadd.s32 $0xFFFFD800  }
0x75: {  	[spmem:s3] =	stream.indirect.scatter.add.f32 [tilespmem:s28], [sflag:$0x1], $0x80, s30, s26, $0xb8;
	[tilespmem:$0x1F500] =	vst v63  }
0x76: {  	_ =	swait.ge [sflag:s25], $0x2800  }
0x77: {  	s30 =	smov.u32 s1;
	[sflag:s25] =	ssyncset.done $0x0  }
0x78: {  	s1 =	sshra.s32 s29, $0x2;
	[sflag:s25] =	ssyncadd.s32 $0xFFFFD800  }
0x79: {  	[tilespmem:s28], [sflag:$0x1] =	stream.indirect.gather [hbm4b:s2+s26], $0x80, s1, s26, $0xb8;
	[tilespmem:$0x1F500] =	vst v63  }
0x7a: {  	_ =	swait.ge [sflag:s25], $0x2800  }
0x7b: {  	[sflag:s25] =	ssyncset.done $0x0  }
0x7c: {  	s1 =	sadd.s32 $0x80, s1;
	[sflag:s25] =	ssyncadd.s32 $0xFFFFD800  }
0x7d: {  	[spmem:s3] =	stream.indirect.scatter.add.f32 [tilespmem:s28], [sflag:$0x1], $0x80, s1, s26, $0xb8;
	[tilespmem:$0x1F500] =	vst v63  }
0x7e: {  	_ =	swait.ge [sflag:s25], $0x2800  }
0x7f: {  	s30 =	sshll.u32 s0, $0x6;
	s4 =	sadd.s32 $0x1, s4;
	[sflag:s25] =	ssyncset.done $0x0  }
0x80: {  	s31 =	sshrl.u32 s5, $0x3;
	p0 =	sne.s32 s4, s9;
	[sflag:s25] =	ssyncadd.s32 $0xFFFFD800  }
.Ltmp2:
0x81: {  	s1 =	sor.u32 $0x1C01, s30;
	[bflag:$0x0] =	sbarrier.arrive $0xFFFF;
	(pc) =	sbr.rel @p0 .LBB2_1-.Ltmp2, $4  }
0x82: {  	[hbm:s8], [sflag:s1] =	dma.local [spmem:s31], $0x2780  }
0x83: {  	_ =	swait.ge [sflag:s25], $0x2780  }
0x84: {  	[sflag:s25] =	ssyncset.done $0x0  }
0x85: {  	[sflag:s25] =	ssyncadd.s32 $0xFFFFD880  }
0x86: {  	_ =	sfence.sel $0x180000  }
0x87: {  	[bflag:$0x0] =	sbarrier.arrive $0xFFFF  }
0x88: {  	_ =	strace $0x9000004D  }
0x89: {  	[bflag:$0x2] =	sbarrier.arrive $0xFFFF  }
0x8a: {  	p0 =	sne.s32 s0, $0x0;
	s0 =	rddreg [dreg:$0x3]  }
0x8b: {  	s0 =	sadd.s32 @!p0 $0x100000, s0  }
0x8c: {  	[sflag:s0] =	ssyncadd.tile.s32 @!p0 $0x1;
	_ =	shalt  }
.Lfunc_end2:
_tile_overlayer_lowered:
.L_overlay_start_2:
0x8d: {  	(tag) =	ssettag $0x2  }
0x8e: {  	s0 =	rddreg [dreg:$0x0];
	s2 =	stileid.u32  }
0x8f: {  	s1 =	rddreg [dreg:$0x1];
	p0 =	sne.s32 s2, $0x0  }
0x90: {  	s3 =	rddreg [dreg:$0x2];
	[bflag:$0x3] =	sbarrier.arrive $0xFFFF;
	s2 =	simm.s32 @!p0 $0x1C01  }
0x91: {  	[timem:s3], [sflag:s2] =	dma.local @!p0 [hbm:s0], s1  }
0x92: {  	s0 =	simm.s32 @!p0 $0x1  }
0x93: {  	_ =	swait.ge @!p0 [sflag:s0], s1  }
0x94: {  	s1 =	ssub.s32 @!p0 $0x0, s1;
	[sflag:s0] =	ssyncset.done @!p0 $0x0  }
0x95: {  	[sflag:s0] =	ssyncadd.s32 @!p0 s1  }
0x96: {  	[bflag:$0x3] =	sbarrier.arrive $0xFFFF  }
0x97: {  	_ =	shalt  }

// kernel: kernel.9.cloned.1.call-start
scs
__scs_entry_jumppad:
0x0: {  	(pc) =	sbr.rel $0x88, $3  }
0x1: {  	(tag) =	ssettag $0x0;
	lr =	simm.s32 $0x1  }
0x2: {  	[smem:$0x3F9B] =	sst lr;
	_ =	strace $0xD0000000  }
0x3: {  	_ = 	snop  }
0x4: {  	_ = 	snop  }
0x5: {  	_ = 	snop  }
0x6: {  	_ = 	snop  }
0x7: {  	_ = 	snop  }
__scs_overlays_trampoline_lowered:
0x8: {  	[smem:$0x3FAA] =	sst s0  }
0x9: {  	[smem:$0x3FAB] =	sst s1  }
0xa: {  	[smem:$0x3FAC] =	sst s2  }
0xb: {  	[smem:$0x3FAD] =	sst s3  }
0xc: {  	[smem:$0x3FAE] =	sst s4  }
0xd: {  	[smem:$0x3FAF] =	sst s5  }
0xe: {  	[smem:$0x3FB0] =	sst s6  }
0xf: {  	[smem:$0x3FB1] =	sst s7  }
0x10: {  	[smem:$0x3FB2] =	sst s8  }
0x11: {  	[smem:$0x3FB3] =	sst s9;
	s0 =	simm.s32 @!p0 $0x0  }
0x12: {  	s1 =	sld [smem:$0x3F99];
	s0 =	simm.s32 @p0 $0x1  }
0x13: {  	[smem:$0x3FB4] =	sst s0;
	s0 =	simm.s32 @!p1 $0x0  }
0x14: {  	s2 =	sld [smem:$0x3F98];
	s0 =	simm.s32 @p1 $0x1  }
0x15: {  	[smem:$0x3FB5] =	sst s0;
	s0 =	simm.s32 @!p2 $0x0  }
0x16: {  	s3 =	sld [smem:$0x3FDB];
	s0 =	simm.s32 @p2 $0x1  }
0x17: {  	s4 =	simm.s32 $0x1BF5;
	[smem:$0x3FB7] =	sst s0  }
0x18: {  	s0 =	sld [smem:$0x3F9A];
	_ =	swait.ge [sflag:s4], $0x0  }
0x19: {  	s7 =	sld [smem:$0x3F9B]  }
0x1a: {  	s8 =	sadd.s32 $0xFFFFE003, lr  }
0x1b: {  	s9 =	sadd.s32 $0xFFFFFEF7, lr;
	s5 =	simm.s32 $0xFFFFFFFF;
	p2 =	slt.u32 s8, $0xFFFFF086  }
0x1c: {  	p1 =	slt.u32 s9, $0xF7A;
	s5 =	simm.s32 @!p2 $0x0  }
0x1d: {  	s5 =	simm.s32 @p1 $0x1;
	p0 =	seq.s32 s7, s2  }
0x1e: {  	s7 =	smul.u32 @!p0 $0xF7A, s2;
	p2 =	seq.s32 @!p0 s5, $0x0  }
0x1f: {  	s9 =	smul.u32 $0xF7A, s1;
	s8 =	simm.s32 @!p0 $0x1BF5;
	p2 =	por !p2, p0  }
0x20: {  	[sflag:s8] =	ssyncset.s32 @!p0 $0xFFFFF086;
	s6 =	sadd.s32 @!p0 s3, s7;
	s7 =	simm.s32 @!p0 $0x108  }
0x21: {  	s3 =	sadd.s32 s3, s9;
	s6 =	sadd.s32 @!p0 $0x88, s6;
	s7 =	simm.s32 @p2 $0x1082  }
0x22: {  	[simem:s7], [sflag:s8] =	dma.local @!p0 [hbm:s6], $0xF7A  }
0x23: {  	s9 =	sor.u32 $0xD0000000, s2;
	s6 =	simm.s32 $0x108;
	_ =	swait.ge @!p0 [sflag:s8], $0x0  }
0x24: {  	s3 =	sadd.s32 $0x88, s3;
	s6 =	simm.s32 @!p1 $0x1082;
	[sflag:s4] =	ssyncset.s32 $0xFFFFF086  }
0x25: {  	[simem:s6], [sflag:s4] =	dma.local [hbm:s3], $0xF7A  }
0x26: {  	[smem:$0x3F9B] =	sst s1;
	(tag) =	ssettag s2;
	_ =	strace s9  }
0x27: {  	s1 =	sld [smem:$0x3FAB]  }
0x28: {  	s2 =	sld [smem:$0x3FAC]  }
0x29: {  	s4 =	sld [smem:$0x3FAE]  }
0x2a: {  	p0 =	seq.s32 s5, $0x0;
	s5 =	sld [smem:$0x3FAF]  }
0x2b: {  	s6 =	sld [smem:$0x3FB0]  }
0x2c: {  	s7 =	sld [smem:$0x3FB1]  }
0x2d: {  	s3 =	simm.s32 $0x108;
	s8 =	sld [smem:$0x3FB2]  }
0x2e: {  	s3 =	simm.s32 @!p0 $0x1082;
	s9 =	sld [smem:$0x3FB3]  }
0x2f: {  	lr =	sadd.s32 s0, s3;
	s0 =	sld [smem:$0x3FAA]  }
0x30: {  	s3 =	sld [smem:$0x3FAD]  }
0x31: {  	[smem:$0x3FB6] =	sst s10  }
0x32: {  	s10 =	sld [smem:$0x3FB4];
	_ =	sdelay $0x3  }
0x33: {  	p0 =	seq.s32 s10, $0x1;
	s10 =	sld [smem:$0x3FB6];
	_ =	sdelay $0x3  }
0x34: {  	[smem:$0x3FB6] =	sst s10  }
0x35: {  	s10 =	sld [smem:$0x3FB5];
	_ =	sdelay $0x3  }
0x36: {  	p1 =	seq.s32 s10, $0x1;
	s10 =	sld [smem:$0x3FB6];
	_ =	sdelay $0x3  }
0x37: {  	[smem:$0x3FB6] =	sst s10  }
0x38: {  	s10 =	sld [smem:$0x3FB7]  }
0x39: {  	_ = 	snop;
	(pc) =	sbr.ind lr, $3  }
0x3a: {  	_ = 	snop  }
0x3b: {  	_ = 	snop  }
0x3c: {  	p2 =	seq.s32 s10, $0x1;
	s10 =	sld [smem:$0x3FB6]  }
0x3d: {  	_ =	shalt  }
0x3e: {  	_ =	shalt  }
0x3f: {  	_ =	shalt  }
0x40: {  	_ =	shalt  }
0x41: {  	_ =	shalt  }
0x42: {  	_ =	shalt  }
0x43: {  	_ =	shalt  }
0x44: {  	_ =	shalt  }
0x45: {  	_ =	shalt  }
0x46: {  	_ =	shalt  }
0x47: {  	_ =	shalt  }
0x48: {  	_ =	shalt  }
0x49: {  	_ =	shalt  }
0x4a: {  	_ =	shalt  }
0x4b: {  	_ =	shalt  }
0x4c: {  	_ =	shalt  }
0x4d: {  	_ =	shalt  }
0x4e: {  	_ =	shalt  }
0x4f: {  	_ =	shalt  }
0x50: {  	_ =	shalt  }
0x51: {  	_ =	shalt  }
0x52: {  	_ =	shalt  }
0x53: {  	_ =	shalt  }
0x54: {  	_ =	shalt  }
0x55: {  	_ =	shalt  }
0x56: {  	_ =	shalt  }
0x57: {  	_ =	shalt  }
0x58: {  	_ =	shalt  }
0x59: {  	_ =	shalt  }
0x5a: {  	_ =	shalt  }
0x5b: {  	_ =	shalt  }
0x5c: {  	_ =	shalt  }
0x5d: {  	_ =	shalt  }
0x5e: {  	_ =	shalt  }
0x5f: {  	_ =	shalt  }
0x60: {  	_ =	shalt  }
0x61: {  	_ =	shalt  }
0x62: {  	_ =	shalt  }
0x63: {  	_ =	shalt  }
0x64: {  	_ =	shalt  }
0x65: {  	_ =	shalt  }
0x66: {  	_ =	shalt  }
0x67: {  	_ =	shalt  }
0x68: {  	_ =	shalt  }
0x69: {  	_ =	shalt  }
0x6a: {  	_ =	shalt  }
0x6b: {  	_ =	shalt  }
0x6c: {  	_ =	shalt  }
0x6d: {  	_ =	shalt  }
0x6e: {  	_ =	shalt  }
0x6f: {  	_ =	shalt  }
0x70: {  	_ =	shalt  }
0x71: {  	_ =	shalt  }
0x72: {  	_ =	shalt  }
0x73: {  	_ =	shalt  }
0x74: {  	_ =	shalt  }
0x75: {  	_ =	shalt  }
0x76: {  	_ =	shalt  }
0x77: {  	_ =	shalt  }
0x78: {  	_ =	shalt  }
0x79: {  	_ =	shalt  }
0x7a: {  	_ =	shalt  }
0x7b: {  	_ =	shalt  }
0x7c: {  	_ =	shalt  }
0x7d: {  	_ =	shalt  }
0x7e: {  	_ =	shalt  }
0x7f: {  	_ =	shalt  }
0x80: {  	_ =	shalt  }
0x81: {  	_ =	shalt  }
0x82: {  	_ =	shalt  }
0x83: {  	_ =	shalt  }
0x84: {  	_ =	shalt  }
0x85: {  	_ =	shalt  }
0x86: {  	_ =	shalt  }
0x87: {  	_ =	shalt  }
.Lfunc_end0:
.L_simem_size_0:
called_computation_lowered:
.L_overlay_start_0:
0x88: {  	s2 =	sld [smem:$0x3FD9]  }
0x89: {  	s3 =	sld [smem:$0x3FFE];
	_ =	sdelay $0x1  }
0x8a: {  	s1 =	srdreg.scid  }
0x8b: {  	s0 =	sand.u32 $0x1, s1  }
0x8c: {  	s17 =	sshll.u32 s0, $0xA;
	s2 =	sadd.s32 s3, s2  }
0x8d: {  	s2 =	sadd.s32 s2, s17  }
0x8e: {  	[smem:$0x3FC2] =	sst s2  }
0x8f: {  	_ = 	snop  }
0x90: {  	s2 =	sld [smem:$0x3FD0];
	(tm) =	ssettm $0x1  }
0x91: {  	s18 =	sld [smem:$0x3FFB];
	_ =	sdelay $0x3  }
0x92: {  	_ =	strace s18  }
0x93: {  	s3 =	sld [smem:$0x3FFC];
	_ =	sdelay $0x3  }
0x94: {  	_ =	strace s3  }
0x95: {  	s3 =	sld [smem:$0x3FFD];
	_ =	sdelay $0x3  }
0x96: {  	_ =	strace s3  }
0x97: {  	_ =	strace $0x8FFFFFFF  }
0x98: {  	s19 =	sld [smem:$0x3FDB];
	_ =	sdelay $0x1  }
0x99: {  	s4 =	simm.s32 $_scs_section_size  }
0x9a: {  	s5 =	simm.s32 $_size__tile_overlayer_lowered;
	s6 =	simm.s32 $_tile_overlayer_lowered  }
0x9b: {  	s22 =	simm.s32 $0x1BFF;
	s21 =	sshll.u32 s6, $0x1;
	s3 =	sadd.s32 s4, s19  }
0x9c: {  	s7 =	simm.s32 $0x0;
	s20 =	sshll.u32 s5, $0x1;
	s5 =	sadd.s32 s21, s3  }
0x9d: {  	[timem:s7], [sflag:s22] =	dma.local [hbm:s5], s20  }
0x9e: {  	_ =	swait.ge [sflag:s22], s20  }
0x9f: {  	s4 =	ssub.s32 $0x0, s20;
	[sflag:s22] =	ssyncset.done $0x0  }
0xa0: {  	[sflag:s22] =	ssyncadd.s32 s4;
	_ =	sdelay $0x1  }
0xa1: {  	s23 =	simm.s32 $0x1B8B  }
0xa2: {  	_ =	swait.ge [sflag:s23], $0x1  }
0xa3: {  	[sflag:s23] =	ssyncset.done $0x0  }
0xa4: {  	s25 =	simm.s32 $0x1B8E;
	s24 =	sld [smem:$0x3FFE];
	[sflag:s23] =	ssyncadd.s32 $0xFFFFFFFF  }
0xa5: {  	s26 =	simm.s32 $execute0_lowered;
	[smem:$0x3FD2] =	sst s25  }
0xa6: {  	s5 =	sshll.u32 s26, $0x1;
	_ =	strace $0x80000046;
	[dreg:$0x1] =	wrdreg $0xFFFFFFFF  }
0xa7: {  	s28 =	simm.s32 $_size_execute0_lowered;
	s3 =	sadd.s32 s3, s5;
	[dreg:$0x0] =	wrdreg $0x0  }
0xa8: {  	s5 =	sshll.u32 s28, $0x1;
	[dreg:$0x2] =	wrdreg s3  }
0xa9: {  	[dreg:$0x3] =	wrdreg s5  }
0xaa: {  	[dreg:$0x4] =	wrdreg $0xC0  }
0xab: {  	_ =	task [dreg:s7], $0x5FFFF  }
0xac: {  	[dreg:$0x1] =	wrdreg $0xFFFFFFFF  }
0xad: {  	[dreg:$0x0] =	wrdreg $0x60  }
0xae: {  	[dreg:$0x2] =	wrdreg s2  }
0xaf: {  	[dreg:$0x3] =	wrdreg s24  }
0xb0: {  	[dreg:$0x4] =	wrdreg $0x9  }
0xb1: {  	_ =	task.clear_ibuf [dreg:s7], $0x5FFFF;
	_ =	strace $0x90000046  }
0xb2: {  	s29 =	simm.s32 $0x9;
	_ =	strace $0x80000048  }
0xb3: {  	_ =	swait.ge [sflag:s29], $0x1  }
0xb4: {  	[sflag:s29] =	ssyncadd.s32 $0xFFFFFFFF  }
0xb5: {  	_ =	strace $0x90000048  }
0xb6: {  	_ =	sfence  }
0xb7: {  	s30 =	sld [smem:$0x0];
	_ =	sdelay $0x2  }
0xb8: {  	s31 =	sshll.u32 s1, $0xD;
	s1 =	sshrl.u32 s1, $0x2  }
0xb9: {  	s3 =	sand.u32 $0x4000, s31;
	s1 =	sadd.s32 s1, s30  }
0xba: {  	s0 =	sor.u32 s3, s0;
	s1 =	sshll.u32 s1, $0x11  }
0xbb: {  	s0 =	sor.u32 s1, s0  }
0xbc: {  	s0 =	sadd.s32 $0x8F2B, s0  }
0xbd: {  	[sflag:s0] =	ssyncadd.remote.s32 $0x1  }
0xbe: {  	_ =	sfence.sel $0xFFFF  }
0xbf: {  	[dreg:$0x0] =	wrdreg $0xFFFFFFFF;
	(pc) =	sbr.abs _section_cstart, $3  }
0xc0: {  	[dreg:$0x1] =	wrdreg $0xFFFFFFFF  }
0xc1: {  	_ =	task.clear_ibuf [dreg:s7], $0x2FFFF;
	_ =	strace $0x9FFFFFFF  }
0xc2: {  	(tm) =	ssettm $0x7FFFFFFF  }
0xc3: {  	_ =	shalt  }
tec
execute0_lowered:
.L_overlay_start_1:
0x0: {  	(tag) =	ssettag $0x1  }
0x1: {  	s0 =	srdreg.scid  }
0x2: {  	s3 =	sand.u32 $0x1, s0  }
0x3: {  	s4 =	rddreg [dreg:$0x0];
	s0 =	stileid.u32;
	s1 =	sshll.u32 s3, $0x4  }
0x4: {  	s5 =	rddreg [dreg:$0x1];
	s1 =	sor.u32 s0, s1  }
0x5: {  	s2 =	simm.s32 $0x0;
	s8 =	simm.s32 $0x1;
	s1 =	sshrl.u32 s1, $0x3  }
0x6: {  	s9 =	simm.s32 $0x2780;
	s7 =	sshll.u32 s0, $0x7;
	s6 =	smul.u32 $0x13C00, s1  }
0x7: {  	[smem:$0x7FF] =	sst s2;
	s3 =	ssub.s32 $0x2, s3;
	s7 =	sand.u32 $0x380, s7  }
0x8: {  	s31 =	sshrl.u32 s3, $0x1;
	s1 =	rddreg [dreg:$0x2];
	s6 =	sor.u32 s7, s6  }
0x9: {  	_ =	strace $0x80000047;
	s7 =	ssub.s32 s3, s31;
	s6 =	sshrl.u32 s6, $0x3  }
0xa: {  	s5 =	sadd.s32 s6, s5;
	s3 =	sadd.s32 s4, s6;
	s6 =	simm.s32 $0x80  }
0xb: {  	v0 =	vimm.f32 $0.0e+00;
	v1 =	vimm.f32 $1.000000000e+00;
	s4 =	sadd.s32 $0x2800, s5;
	s5 =	smax.u32 s7, $0x1;
	s7 =	simm.s32 $0x400  }
.LBB2_1:
0xc: {  	s10 =	simm.s32 $0x40;
	s11 =	simm.s32 $0x0  }
.LBB2_2:
0xd: {  	p0 =	sne.s32 s10, $0x9DC0;
	[tilespmem:s11+$0x2780] =	vst v0;
	s11 =	smov.u32 s10;
	s10 =	sadd.s32 $0x40, s10  }
.Ltmp0:
0xe: {  	(pc) =	sbr.rel @p0 .LBB2_2-.Ltmp0, $2  }
0xf: {  	_ =	sdelay $0x2  }
0x10: {  	s11 =	sshra.s32 s11, $0x2  }
0x11: {  	[tilespmem:s11+$0x2780] =	vst v0;
	s10 =	simm.s32 $0x0  }
0x12: {  	[tilespmem:s10], [sflag:$0x1] =	stream.strided.gather [hbm4b:s3+s6], $0x2780, s7, s6, $0x38;
	[tilespmem:$0x4F00] =	vst v63  }
0x13: {  	_ =	swait.ge [sflag:s8], $0x2780  }
0x14: {  	[sflag:s8] =	ssyncset.done $0x0  }
0x15: {  	s11 =	simm.s32 $0x0;
	s10 =	simm.s32 $0x40;
	[sflag:s8] =	ssyncadd.s32 $0xFFFFD880  }
.LBB2_4:
0x16: {  	p0 =	sne.s32 s10, $0x9C00;
	v2 =	vld [tilespmem:s11+$0x0];
	_ =	sdelay $0x3  }
.Ltmp1:
0x17: {  	(pc) =	sbr.rel @p0 .LBB2_4-.Ltmp1, $2  }
0x18: {  	_ =	sdelay $0x2  }
0x19: {  	s11 =	sshra.s32 s10, $0x2;
	s10 =	sadd.s32 $0x40, s10;
	[tilespmem:v2+s9+$0x0] =	vst.idx.add.f32.msk $0xffff, v1  }
0x1a: {  	v2 =	vld [tilespmem:s11+$0x0];
	_ =	sdelay $0x5  }
0x1b: {  	s2 =	sadd.s32 $0x1, s2  }
0x1c: {  	p0 =	sne.s32 s2, s5  }
.Ltmp2:
0x1d: {  	[tilespmem:v2+s9+$0x0] =	vst.idx.add.f32.msk $0xffff, v1;
	(pc) =	sbr.rel @p0 .LBB2_1-.Ltmp2, $4  }
0x1e: {  	[hbm4b:s4+s6] =	stream.strided.scatter [tilespmem:s9], [sflag:$0x1], $0x2780, s7, s6, $0x38;
	[tilespmem:$0x4F00] =	vst v63  }
0x1f: {  	_ =	swait.ge [sflag:s8], $0x2780  }
0x20: {  	[sflag:s8] =	ssyncset.done $0x0  }
0x21: {  	[sflag:s8] =	ssyncadd.s32 $0xFFFFD880  }
0x22: {  	_ =	sfence.sel $0x180000  }
0x23: {  	[bflag:$0x0] =	sbarrier.arrive $0xFFFF  }
0x24: {  	p0 =	sne.s32 s0, $0x0;
	_ =	strace $0x90000047  }
0x25: {  	s0 =	sadd.s32 @!p0 $0x100000, s1;
	[bflag:$0x2] =	sbarrier.arrive $0xFFFF  }
0x26: {  	[sflag:s0] =	ssyncadd.tile.s32 @!p0 $0x1;
	_ =	shalt  }
.Lfunc_end2:
_tile_overlayer_lowered:
.L_overlay_start_2:
0x27: {  	(tag) =	ssettag $0x2  }
0x28: {  	s0 =	rddreg [dreg:$0x0];
	s2 =	stileid.u32  }
0x29: {  	s1 =	rddreg [dreg:$0x1];
	p0 =	sne.s32 s2, $0x0  }
0x2a: {  	s3 =	rddreg [dreg:$0x2];
	[bflag:$0x3] =	sbarrier.arrive $0xFFFF;
	s2 =	simm.s32 @!p0 $0x1C01  }
0x2b: {  	[timem:s3], [sflag:s2] =	dma.local @!p0 [hbm:s0], s1  }
0x2c: {  	s0 =	simm.s32 @!p0 $0x1  }
0x2d: {  	_ =	swait.ge @!p0 [sflag:s0], s1  }
0x2e: {  	s1 =	ssub.s32 @!p0 $0x0, s1;
	[sflag:s0] =	ssyncset.done @!p0 $0x0  }
0x2f: {  	[sflag:s0] =	ssyncadd.s32 @!p0 s1  }
0x30: {  	[bflag:$0x3] =	sbarrier.arrive $0xFFFF  }
0x31: {  	_ =	shalt  }

</sc_bundles>
